<compile_context>
chip_gen: v7x
topology: tpu7x:2x2x1
jax: 0.10.2.dev20260603
libtpu: 0.0.44.dev20260713+nightly
codegen_flags: <defaults>
</compile_context>

<pallas_src>
import jax
import jax.numpy as jnp
from jax import lax
from jax.experimental import pallas as pl
from jax.experimental.pallas import tpu as pltpu
from jax.experimental.pallas import tpu_sc as plsc

_L = 16
_B, _P, _H, _W = 16, 3000, 256, 256
_PP = 3072
_HALF = _PP // 2
_STEPS = _HALF // _L


_UNROLL = 4


def _chunk(map_ref, w_ref, t_ref, off):
    w = w_ref[pl.ds(off, _L)]
    idx_a = (w & 255) * _W + ((w >> 8) & 255)
    idx_b = ((w >> 16) & 255) * _W + ((w >> 24) & 255)
    za = plsc.load_gather(map_ref, [idx_a])
    zb = plsc.load_gather(map_ref, [idx_b])
    t = t_ref[pl.ds(off, _L)]
    u = t * (za - zb)
    e = jnp.exp(-jnp.abs(u))
    z = e / (2.0 + e)
    z2 = z * z
    p = 2.0 * z * (1.0 + z2 * (1.0 / 3.0 + z2 * (0.2 + z2 * (1.0 / 7.0 + z2 * (1.0 / 9.0)))))
    val = jnp.maximum(u, 0.0) + p
    m = t != 0.0
    return jnp.where(m, val, 0.0), jnp.where(m, 1.0, 0.0)


def _softplus_steps(map_ref, w_ref, t_ref):

    def body(j, carry):
        accs = list(carry)
        base = j * (_L * _UNROLL)
        for k in range(_UNROLL):
            v, c = _chunk(map_ref, w_ref, t_ref, base + k * _L)
            accs[2 * k] = accs[2 * k] + v
            accs[2 * k + 1] = accs[2 * k + 1] + c
        return tuple(accs)

    zero = jnp.zeros((_L,), jnp.float32)
    accs = lax.fori_loop(0, _STEPS // _UNROLL, body, (zero,) * (2 * _UNROLL))
    s_vec = accs[0]
    c_vec = accs[1]
    for k in range(1, _UNROLL):
        s_vec = s_vec + accs[2 * k]
        c_vec = c_vec + accs[2 * k + 1]
    return s_vec, c_vec


def _sc_body(flat_hbm, w_hbm, t_hbm, sums_hbm, cnts_hbm,
             map_v, w_v, t_v, res_s, res_c, sem1, sem2, sem3):
    batch = lax.axis_index("s")
    half = lax.axis_index("c")
    base = half * _HALF
    h1 = pltpu.async_copy(flat_hbm.at[batch], map_v, sem1)
    h2 = pltpu.async_copy(w_hbm.at[batch, pl.ds(base, _HALF)], w_v, sem2)
    h3 = pltpu.async_copy(t_hbm.at[batch, pl.ds(base, _HALF)], t_v, sem3)
    h2.wait()
    h3.wait()
    h1.wait()
    s_vec, c_vec = _softplus_steps(map_v, w_v, t_v)
    res_s[...] = s_vec
    res_c[...] = c_vec
    pltpu.sync_copy(res_s, sums_hbm.at[batch, pl.ds(half * _L, _L)])
    pltpu.sync_copy(res_c, cnts_hbm.at[batch, pl.ds(half * _L, _L)])


@jax.jit
def _sc_partials(flat, w, t):
    mesh = plsc.VectorSubcoreMesh(core_axis_name="c", subcore_axis_name="s")
    return pl.kernel(
        _sc_body,
        out_type=[
            jax.ShapeDtypeStruct((_B, 2 * _L), jnp.float32),
            jax.ShapeDtypeStruct((_B, 2 * _L), jnp.float32),
        ],
        mesh=mesh,
        compiler_params=pltpu.CompilerParams(needs_layout_passes=False),
        scratch_types=[
            pltpu.VMEM((_H * _W,), jnp.float32),
            pltpu.VMEM((_HALF,), jnp.int32),
            pltpu.VMEM((_HALF,), jnp.float32),
            pltpu.VMEM((_L,), jnp.float32),
            pltpu.VMEM((_L,), jnp.float32),
            pltpu.SemaphoreType.DMA,
            pltpu.SemaphoreType.DMA,
            pltpu.SemaphoreType.DMA,
        ],
    )(flat, w, t)


def _combine_body(s_ref, c_ref, o_ref):
    s = jnp.sum(s_ref[...], axis=1)
    c = jnp.sum(c_ref[...], axis=1)
    per = s / jnp.maximum(c, 1.0)
    o_ref[...] = (jnp.sum(per) / _B).reshape(1, 1)


@jax.jit
def _combine(sums, cnts):
    return pl.pallas_call(
        _combine_body,
        out_shape=jax.ShapeDtypeStruct((1, 1), jnp.float32),
    )(sums, cnts)


def kernel(output, x_A, y_A, x_B, y_B, ordinal_relation):
    flat = output.reshape(_B, _H * _W)
    w = ((x_A & 255)
         | ((y_A & 255) << 8)
         | ((x_B & 255) << 16)
         | ((y_B & 255) << 24)).astype(jnp.int32)
    pad = ((0, 0), (0, _PP - _P))
    w = jnp.pad(w, pad)
    t = jnp.pad(ordinal_relation, pad)
    sums, cnts = _sc_partials(flat, w, t)
    return _combine(sums, cnts)[0, 0]

# --- scband reference (transcript-rebuilt; emitter-appended) ---
"""Pipeline reference for scband-relative-depth-loss-8589934916 (READ-ONLY COPY).

The authoritative reference and input builder live on the scoring server;
editing this copy changes nothing except your own understanding.
"""

import jax, jax.numpy as jnp
import numpy as np

B, P, H, W = 16, 3000, 256, 256

def setup_inputs(seed: int = 0) -> dict:
    key = jax.random.key(seed)
    k1, k2, k3, k4, k5, k6 = jax.random.split(key, 6)
    output = jax.random.normal(k1, (B, 1, H, W), dtype=jnp.float32)
    x_A = jax.random.randint(k2, (B, P), 0, 256)
    y_A = jax.random.randint(k3, (B, P), 0, 256)
    x_B = jax.random.randint(k4, (B, P), 0, 256)
    y_B = jax.random.randint(k5, (B, P), 0, 256)
    ordinal_relation = jax.random.randint(k6, (B, P), -1, 2).astype(jnp.float32)
    return {"output": output, "x_A": x_A, "y_A": y_A, "x_B": x_B, "y_B": y_B, "ordinal_relation": ordinal_relation}

def reference(output, x_A, y_A, x_B, y_B, ordinal_relation):
    Bn = output.shape[0]
    Wd = output.shape[3]
    xA = jnp.clip(x_A, 0, 255)
    yA = jnp.clip(y_A, 0, 255)
    xB = jnp.clip(x_B, 0, 255)
    yB = jnp.clip(y_B, 0, 255)
    flat = output[:, 0, :, :].reshape(Bn, -1)
    idxA = xA * Wd + yA
    idxB = xB * Wd + yB
    z_A = jnp.take_along_axis(flat, idxA, axis=1)
    z_B = jnp.take_along_axis(flat, idxB, axis=1)
    pred_depth = z_A - z_B
    t = ordinal_relation
    mask = (t != 0)
    vals = jnp.log(1.0 + jnp.exp(t * pred_depth))
    per_sample = jnp.sum(jnp.where(mask, vals, 0.0), axis=1) / jnp.maximum(jnp.sum(mask, axis=1), 1)
    total_loss = jnp.sum(per_sample)
    return total_loss / Bn

if __name__ == "__main__":
    import jax
    _d = setup_inputs()
    print(jax.jit(kernel)(*tuple(_d.values())))

</pallas_src>

<mosaic_0001>
#map = affine_map<(d0, d1) -> (0, 0)>
module attributes {stable_mosaic.version = 14 : i64} {
  func.func @_sc_body(%arg0: i32, %arg1: i32, %arg2: memref<16x65536xf32, #tpu.memory_space<hbm>>, %arg3: memref<16x3072xi32, #tpu.memory_space<hbm>>, %arg4: memref<16x3072xf32, #tpu.memory_space<hbm>>, %arg5: memref<16x32xf32, #tpu.memory_space<hbm>>, %arg6: memref<16x32xf32, #tpu.memory_space<hbm>>, %arg7: memref<65536xf32, #tpu.memory_space<vmem>>, %arg8: memref<1536xi32, #tpu.memory_space<vmem>>, %arg9: memref<1536xf32, #tpu.memory_space<vmem>>, %arg10: memref<16xf32, #tpu.memory_space<vmem>>, %arg11: memref<16xf32, #tpu.memory_space<vmem>>, %arg12: memref<!tpu.dma_semaphore, #tpu.memory_space<semaphore_mem>>, %arg13: memref<!tpu.dma_semaphore, #tpu.memory_space<semaphore_mem>>, %arg14: memref<!tpu.dma_semaphore, #tpu.memory_space<semaphore_mem>>) attributes {dimension_semantics = [#tpu.dimension_semantics<core_parallel>, #tpu.dimension_semantics<subcore_parallel>], iteration_bounds = array<i64: 2, 16>, scalar_prefetch = 0 : i64, scratch_operands = 8 : i64, tpu.core_type = #tpu.core_type<sc_vector_subcore>, window_params = [{transform_indices = #map}, {transform_indices = #map}, {transform_indices = #map}, {transform_indices = #map}, {transform_indices = #map}]} {
    %mul3A = arith.constant 1536 : i32
    %mul3A_0 = arith.muli %arg0, %mul3A : i32
    %dma_start3A = arith.constant 0 : i32
    %dma_start3A_1 = tpu.memref_slice %arg2[%arg1, %dma_start3A] : memref<16x65536xf32, #tpu.memory_space<hbm>> -> memref<1x65536xf32, #tpu.memory_space<hbm>>
    %dma_start3A_2 = tpu.memref_squeeze %dma_start3A_1 : memref<1x65536xf32, #tpu.memory_space<hbm>> -> memref<65536xf32, #tpu.memory_space<hbm>>
    %dma_start3A_3 = arith.constant 0 : i32
    %dma_start3A_4 = tpu.memref_slice %arg2[%arg1, %dma_start3A_3] : memref<16x65536xf32, #tpu.memory_space<hbm>> -> memref<1x65536xf32, #tpu.memory_space<hbm>>
    %dma_start3A_5 = tpu.memref_squeeze %dma_start3A_4 : memref<1x65536xf32, #tpu.memory_space<hbm>> -> memref<65536xf32, #tpu.memory_space<hbm>>
    tpu.enqueue_dma source(%dma_start3A_5 : memref<65536xf32, #tpu.memory_space<hbm>>) target(%arg7 : memref<65536xf32, #tpu.memory_space<vmem>>) target_semaphore(%arg12 : memref<!tpu.dma_semaphore, #tpu.memory_space<semaphore_mem>>)
    %dma_start3A_6 = tpu.memref_slice %arg3[%arg1, %mul3A_0] : memref<16x3072xi32, #tpu.memory_space<hbm>> -> memref<1x1536xi32, #tpu.memory_space<hbm>>
    %dma_start3A_7 = tpu.memref_squeeze %dma_start3A_6 : memref<1x1536xi32, #tpu.memory_space<hbm>> -> memref<1536xi32, #tpu.memory_space<hbm>>
    %dma_start3A_8 = tpu.memref_slice %arg3[%arg1, %mul3A_0] : memref<16x3072xi32, #tpu.memory_space<hbm>> -> memref<1x1536xi32, #tpu.memory_space<hbm>>
    %dma_start3A_9 = tpu.memref_squeeze %dma_start3A_8 : memref<1x1536xi32, #tpu.memory_space<hbm>> -> memref<1536xi32, #tpu.memory_space<hbm>>
    tpu.enqueue_dma source(%dma_start3A_9 : memref<1536xi32, #tpu.memory_space<hbm>>) target(%arg8 : memref<1536xi32, #tpu.memory_space<vmem>>) target_semaphore(%arg13 : memref<!tpu.dma_semaphore, #tpu.memory_space<semaphore_mem>>)
    %dma_start3A_10 = tpu.memref_slice %arg4[%arg1, %mul3A_0] : memref<16x3072xf32, #tpu.memory_space<hbm>> -> memref<1x1536xf32, #tpu.memory_space<hbm>>
    %dma_start3A_11 = tpu.memref_squeeze %dma_start3A_10 : memref<1x1536xf32, #tpu.memory_space<hbm>> -> memref<1536xf32, #tpu.memory_space<hbm>>
    %dma_start3A_12 = tpu.memref_slice %arg4[%arg1, %mul3A_0] : memref<16x3072xf32, #tpu.memory_space<hbm>> -> memref<1x1536xf32, #tpu.memory_space<hbm>>
    %dma_start3A_13 = tpu.memref_squeeze %dma_start3A_12 : memref<1x1536xf32, #tpu.memory_space<hbm>> -> memref<1536xf32, #tpu.memory_space<hbm>>
    tpu.enqueue_dma source(%dma_start3A_13 : memref<1536xf32, #tpu.memory_space<hbm>>) target(%arg9 : memref<1536xf32, #tpu.memory_space<vmem>>) target_semaphore(%arg14 : memref<!tpu.dma_semaphore, #tpu.memory_space<semaphore_mem>>)
    %dma_wait3A = tpu.memref_slice %arg3[%arg1, %mul3A_0] : memref<16x3072xi32, #tpu.memory_space<hbm>> -> memref<1x1536xi32, #tpu.memory_space<hbm>>
    %dma_wait3A_14 = tpu.memref_squeeze %dma_wait3A : memref<1x1536xi32, #tpu.memory_space<hbm>> -> memref<1536xi32, #tpu.memory_space<hbm>>
    %dma_wait3A_15 = tpu.memref_slice %arg3[%arg1, %mul3A_0] : memref<16x3072xi32, #tpu.memory_space<hbm>> -> memref<1x1536xi32, #tpu.memory_space<hbm>>
    %dma_wait3A_16 = tpu.memref_squeeze %dma_wait3A_15 : memref<1x1536xi32, #tpu.memory_space<hbm>> -> memref<1536xi32, #tpu.memory_space<hbm>>
    tpu.wait_dma2 semaphore(%arg13 : memref<!tpu.dma_semaphore, #tpu.memory_space<semaphore_mem>>) src(%dma_wait3A_16 : memref<1536xi32, #tpu.memory_space<hbm>>) dst(%arg8 : memref<1536xi32, #tpu.memory_space<vmem>>)
    %dma_wait3A_17 = tpu.memref_slice %arg4[%arg1, %mul3A_0] : memref<16x3072xf32, #tpu.memory_space<hbm>> -> memref<1x1536xf32, #tpu.memory_space<hbm>>
    %dma_wait3A_18 = tpu.memref_squeeze %dma_wait3A_17 : memref<1x1536xf32, #tpu.memory_space<hbm>> -> memref<1536xf32, #tpu.memory_space<hbm>>
    %dma_wait3A_19 = tpu.memref_slice %arg4[%arg1, %mul3A_0] : memref<16x3072xf32, #tpu.memory_space<hbm>> -> memref<1x1536xf32, #tpu.memory_space<hbm>>
    %dma_wait3A_20 = tpu.memref_squeeze %dma_wait3A_19 : memref<1x1536xf32, #tpu.memory_space<hbm>> -> memref<1536xf32, #tpu.memory_space<hbm>>
    tpu.wait_dma2 semaphore(%arg14 : memref<!tpu.dma_semaphore, #tpu.memory_space<semaphore_mem>>) src(%dma_wait3A_20 : memref<1536xf32, #tpu.memory_space<hbm>>) dst(%arg9 : memref<1536xf32, #tpu.memory_space<vmem>>)
    %dma_wait3A_21 = arith.constant 0 : i32
    %dma_wait3A_22 = tpu.memref_slice %arg2[%arg1, %dma_wait3A_21] : memref<16x65536xf32, #tpu.memory_space<hbm>> -> memref<1x65536xf32, #tpu.memory_space<hbm>>
    %dma_wait3A_23 = tpu.memref_squeeze %dma_wait3A_22 : memref<1x65536xf32, #tpu.memory_space<hbm>> -> memref<65536xf32, #tpu.memory_space<hbm>>
    %dma_wait3A_24 = arith.constant 0 : i32
    %dma_wait3A_25 = tpu.memref_slice %arg2[%arg1, %dma_wait3A_24] : memref<16x65536xf32, #tpu.memory_space<hbm>> -> memref<1x65536xf32, #tpu.memory_space<hbm>>
    %dma_wait3A_26 = tpu.memref_squeeze %dma_wait3A_25 : memref<1x65536xf32, #tpu.memory_space<hbm>> -> memref<65536xf32, #tpu.memory_space<hbm>>
    tpu.wait_dma2 semaphore(%arg12 : memref<!tpu.dma_semaphore, #tpu.memory_space<semaphore_mem>>) src(%dma_wait3A_26 : memref<65536xf32, #tpu.memory_space<hbm>>) dst(%arg7 : memref<65536xf32, #tpu.memory_space<vmem>>)
    %broadcast_in_dim3A = arith.constant 0.000000e+00 : f32
    %broadcast_in_dim3A_27 = vector.broadcast %broadcast_in_dim3A : f32 to vector<16xf32>
    %scan3A = arith.constant 0 : i32
    %scan3A_28 = arith.constant 24 : i32
    %scan3A_29 = arith.addi %scan3A, %scan3A_28 : i32
    %scan3A_30 = arith.constant 1 : i32
    %scan3A_31:8 = scf.for %scan3A_45 = %scan3A to %scan3A_29 step %scan3A_30 iter_args(%scan3A_46 = %broadcast_in_dim3A_27, %scan3A_47 = %broadcast_in_dim3A_27, %scan3A_48 = %broadcast_in_dim3A_27, %scan3A_49 = %broadcast_in_dim3A_27, %scan3A_50 = %broadcast_in_dim3A_27, %scan3A_51 = %broadcast_in_dim3A_27, %scan3A_52 = %broadcast_in_dim3A_27, %scan3A_53 = %broadcast_in_dim3A_27) -> (vector<16xf32>, vector<16xf32>, vector<16xf32>, vector<16xf32>, vector<16xf32>, vector<16xf32>, vector<16xf32>, vector<16xf32>)  : i32 {
      %mul3A_54 = arith.constant 64 : i32
      %mul3A_55 = arith.muli %scan3A_45, %mul3A_54 : i32
      %add3A_56 = arith.constant 0 : i32
      %add3A_57 = arith.addi %mul3A_55, %add3A_56 : i32
      %get3A = arith.index_cast %add3A_57 : i32 to index
      %get3A_58 = tpu.vector_load %arg8[%get3A] {strides = array<i32>} : memref<1536xi32, #tpu.memory_space<vmem>>, vector<16xi32>,
      %and3A = arith.constant 255 : i32
      %and3A_59 = vector.broadcast %and3A : i32 to vector<16xi32>
      %and3A_60 = arith.andi %get3A_58, %and3A_59 : vector<16xi32>
      %mul3A_61 = arith.constant 256 : i32
      %mul3A_62 = vector.broadcast %mul3A_61 : i32 to vector<16xi32>
      %mul3A_63 = arith.muli %and3A_60, %mul3A_62 : vector<16xi32>
      %shift_right_arithmetic3A = arith.constant 8 : i32
      %shift_right_arithmetic3A_64 = vector.broadcast %shift_right_arithmetic3A : i32 to vector<16xi32>
      %shift_right_arithmetic3A_65 = arith.shrsi %get3A_58, %shift_right_arithmetic3A_64 : vector<16xi32>
      %and3A_66 = arith.constant 255 : i32
      %and3A_67 = vector.broadcast %and3A_66 : i32 to vector<16xi32>
      %and3A_68 = arith.andi %shift_right_arithmetic3A_65, %and3A_67 : vector<16xi32>
      %add3A_69 = arith.addi %mul3A_63, %and3A_68 : vector<16xi32>
      %shift_right_arithmetic3A_70 = arith.constant 16 : i32
      %shift_right_arithmetic3A_71 = vector.broadcast %shift_right_arithmetic3A_70 : i32 to vector<16xi32>
      %shift_right_arithmetic3A_72 = arith.shrsi %get3A_58, %shift_right_arithmetic3A_71 : vector<16xi32>
      %and3A_73 = arith.constant 255 : i32
      %and3A_74 = vector.broadcast %and3A_73 : i32 to vector<16xi32>
      %and3A_75 = arith.andi %shift_right_arithmetic3A_72, %and3A_74 : vector<16xi32>
      %mul3A_76 = arith.constant 256 : i32
      %mul3A_77 = vector.broadcast %mul3A_76 : i32 to vector<16xi32>
      %mul3A_78 = arith.muli %and3A_75, %mul3A_77 : vector<16xi32>
      %shift_right_arithmetic3A_79 = arith.constant 24 : i32
      %shift_right_arithmetic3A_80 = vector.broadcast %shift_right_arithmetic3A_79 : i32 to vector<16xi32>
      %shift_right_arithmetic3A_81 = arith.shrsi %get3A_58, %shift_right_arithmetic3A_80 : vector<16xi32>
      %and3A_82 = arith.constant 255 : i32
      %and3A_83 = vector.broadcast %and3A_82 : i32 to vector<16xi32>
      %and3A_84 = arith.andi %shift_right_arithmetic3A_81, %and3A_83 : vector<16xi32>
      %add3A_85 = arith.addi %mul3A_78, %and3A_84 : vector<16xi32>
      %gather3A = tpu.vector_load_idx %arg7[%add3A_69] : memref<65536xf32, #tpu.memory_space<vmem>>[vector<16xi32>], vector<16xf32>,
      %gather3A_86 = tpu.vector_load_idx %arg7[%add3A_85] : memref<65536xf32, #tpu.memory_space<vmem>>[vector<16xi32>], vector<16xf32>,
      %get3A_87 = arith.index_cast %add3A_57 : i32 to index
      %get3A_88 = tpu.vector_load %arg9[%get3A_87] {strides = array<i32>} : memref<1536xf32, #tpu.memory_space<vmem>>, vector<16xf32>,
      %sub3A = arith.subf %gather3A, %gather3A_86 : vector<16xf32>
      %mul3A_89 = arith.mulf %get3A_88, %sub3A : vector<16xf32>
      %abs3A = math.absf %mul3A_89 : vector<16xf32>
      %neg3A = arith.constant 0.000000e+00 : f32
      %neg3A_90 = vector.broadcast %neg3A : f32 to vector<16xf32>
      %neg3A_91 = arith.subf %neg3A_90, %abs3A : vector<16xf32>
      %exp3A = math.exp %neg3A_91 : vector<16xf32>
      %add3A_92 = arith.constant 2.000000e+00 : f32
      %add3A_93 = vector.broadcast %add3A_92 : f32 to vector<16xf32>
      %add3A_94 = arith.addf %add3A_93, %exp3A : vector<16xf32>
      %div3A = arith.divf %exp3A, %add3A_94 : vector<16xf32>
      %mul3A_95 = arith.mulf %div3A, %div3A : vector<16xf32>
      %mul3A_96 = arith.constant 2.000000e+00 : f32
      %mul3A_97 = vector.broadcast %mul3A_96 : f32 to vector<16xf32>
      %mul3A_98 = arith.mulf %mul3A_97, %div3A : vector<16xf32>
      %mul3A_99 = arith.constant 0.111111112 : f32
      %mul3A_100 = vector.broadcast %mul3A_99 : f32 to vector<16xf32>
      %mul3A_101 = arith.mulf %mul3A_95, %mul3A_100 : vector<16xf32>
      %add3A_102 = arith.constant 0.142857149 : f32
      %add3A_103 = vector.broadcast %add3A_102 : f32 to vector<16xf32>
      %add3A_104 = arith.addf %add3A_103, %mul3A_101 : vector<16xf32>
      %mul3A_105 = arith.mulf %mul3A_95, %add3A_104 : vector<16xf32>
      %add3A_106 = arith.constant 2.000000e-01 : f32
      %add3A_107 = vector.broadcast %add3A_106 : f32 to vector<16xf32>
      %add3A_108 = arith.addf %add3A_107, %mul3A_105 : vector<16xf32>
      %mul3A_109 = arith.mulf %mul3A_95, %add3A_108 : vector<16xf32>
      %add3A_110 = arith.constant 0.333333343 : f32
      %add3A_111 = vector.broadcast %add3A_110 : f32 to vector<16xf32>
      %add3A_112 = arith.addf %add3A_111, %mul3A_109 : vector<16xf32>
      %mul3A_113 = arith.mulf %mul3A_95, %add3A_112 : vector<16xf32>
      %add3A_114 = arith.constant 1.000000e+00 : f32
      %add3A_115 = vector.broadcast %add3A_114 : f32 to vector<16xf32>
      %add3A_116 = arith.addf %add3A_115, %mul3A_113 : vector<16xf32>
      %mul3A_117 = arith.mulf %mul3A_98, %add3A_116 : vector<16xf32>
      %max3A = arith.constant 0.000000e+00 : f32
      %max3A_118 = vector.broadcast %max3A : f32 to vector<16xf32>
      %max3A_119 = arith.maximumf %mul3A_89, %max3A_118 : vector<16xf32>
      %add3A_120 = arith.addf %max3A_119, %mul3A_117 : vector<16xf32>
      %ne3A = arith.constant 0.000000e+00 : f32
      %ne3A_121 = vector.broadcast %ne3A : f32 to vector<16xf32>
      %ne3A_122 = arith.cmpf one, %get3A_88, %ne3A_121 : vector<16xf32>
      %jit3A = arith.constant 0.000000e+00 : f32
      %broadcast_in_dim3A_123 = vector.broadcast %jit3A : f32 to vector<16xf32>
      %select_n3A = arith.select %ne3A_122, %add3A_120, %broadcast_in_dim3A_123 : vector<16xi1>, vector<16xf32>
      %jit3A_124 = arith.constant 1.000000e+00 : f32
      %jit3A_125 = arith.constant 0.000000e+00 : f32
      %broadcast_in_dim3A_126 = vector.broadcast %jit3A_124 : f32 to vector<16xf32>
      %broadcast_in_dim3A_127 = vector.broadcast %jit3A_125 : f32 to vector<16xf32>
      %select_n3A_128 = arith.select %ne3A_122, %broadcast_in_dim3A_126, %broadcast_in_dim3A_127 : vector<16xi1>, vector<16xf32>
      %add3A_129 = arith.addf %scan3A_46, %select_n3A : vector<16xf32>
      %add3A_130 = arith.addf %scan3A_47, %select_n3A_128 : vector<16xf32>
      %add3A_131 = arith.constant 16 : i32
      %add3A_132 = arith.addi %mul3A_55, %add3A_131 : i32
      %get3A_133 = arith.index_cast %add3A_132 : i32 to index
      %get3A_134 = tpu.vector_load %arg8[%get3A_133] {strides = array<i32>} : memref<1536xi32, #tpu.memory_space<vmem>>, vector<16xi32>,
      %and3A_135 = arith.constant 255 : i32
      %and3A_136 = vector.broadcast %and3A_135 : i32 to vector<16xi32>
      %and3A_137 = arith.andi %get3A_134, %and3A_136 : vector<16xi32>
      %mul3A_138 = arith.constant 256 : i32
      %mul3A_139 = vector.broadcast %mul3A_138 : i32 to vector<16xi32>
      %mul3A_140 = arith.muli %and3A_137, %mul3A_139 : vector<16xi32>
      %shift_right_arithmetic3A_141 = arith.constant 8 : i32
      %shift_right_arithmetic3A_142 = vector.broadcast %shift_right_arithmetic3A_141 : i32 to vector<16xi32>
      %shift_right_arithmetic3A_143 = arith.shrsi %get3A_134, %shift_right_arithmetic3A_142 : vector<16xi32>
      %and3A_144 = arith.constant 255 : i32
      %and3A_145 = vector.broadcast %and3A_144 : i32 to vector<16xi32>
      %and3A_146 = arith.andi %shift_right_arithmetic3A_143, %and3A_145 : vector<16xi32>
      %add3A_147 = arith.addi %mul3A_140, %and3A_146 : vector<16xi32>
      %shift_right_arithmetic3A_148 = arith.constant 16 : i32
      %shift_right_arithmetic3A_149 = vector.broadcast %shift_right_arithmetic3A_148 : i32 to vector<16xi32>
      %shift_right_arithmetic3A_150 = arith.shrsi %get3A_134, %shift_right_arithmetic3A_149 : vector<16xi32>
      %and3A_151 = arith.constant 255 : i32
      %and3A_152 = vector.broadcast %and3A_151 : i32 to vector<16xi32>
      %and3A_153 = arith.andi %shift_right_arithmetic3A_150, %and3A_152 : vector<16xi32>
      %mul3A_154 = arith.constant 256 : i32
      %mul3A_155 = vector.broadcast %mul3A_154 : i32 to vector<16xi32>
      %mul3A_156 = arith.muli %and3A_153, %mul3A_155 : vector<16xi32>
      %shift_right_arithmetic3A_157 = arith.constant 24 : i32
      %shift_right_arithmetic3A_158 = vector.broadcast %shift_right_arithmetic3A_157 : i32 to vector<16xi32>
      %shift_right_arithmetic3A_159 = arith.shrsi %get3A_134, %shift_right_arithmetic3A_158 : vector<16xi32>
      %and3A_160 = arith.constant 255 : i32
      %and3A_161 = vector.broadcast %and3A_160 : i32 to vector<16xi32>
      %and3A_162 = arith.andi %shift_right_arithmetic3A_159, %and3A_161 : vector<16xi32>
      %add3A_163 = arith.addi %mul3A_156, %and3A_162 : vector<16xi32>
      %gather3A_164 = tpu.vector_load_idx %arg7[%add3A_147] : memref<65536xf32, #tpu.memory_space<vmem>>[vector<16xi32>], vector<16xf32>,
      %gather3A_165 = tpu.vector_load_idx %arg7[%add3A_163] : memref<65536xf32, #tpu.memory_space<vmem>>[vector<16xi32>], vector<16xf32>,
      %get3A_166 = arith.index_cast %add3A_132 : i32 to index
      %get3A_167 = tpu.vector_load %arg9[%get3A_166] {strides = array<i32>} : memref<1536xf32, #tpu.memory_space<vmem>>, vector<16xf32>,
      %sub3A_168 = arith.subf %gather3A_164, %gather3A_165 : vector<16xf32>
      %mul3A_169 = arith.mulf %get3A_167, %sub3A_168 : vector<16xf32>
      %abs3A_170 = math.absf %mul3A_169 : vector<16xf32>
      %neg3A_171 = arith.constant 0.000000e+00 : f32
      %neg3A_172 = vector.broadcast %neg3A_171 : f32 to vector<16xf32>
      %neg3A_173 = arith.subf %neg3A_172, %abs3A_170 : vector<16xf32>
      %exp3A_174 = math.exp %neg3A_173 : vector<16xf32>
      %add3A_175 = arith.constant 2.000000e+00 : f32
      %add3A_176 = vector.broadcast %add3A_175 : f32 to vector<16xf32>
      %add3A_177 = arith.addf %add3A_176, %exp3A_174 : vector<16xf32>
      %div3A_178 = arith.divf %exp3A_174, %add3A_177 : vector<16xf32>
      %mul3A_179 = arith.mulf %div3A_178, %div3A_178 : vector<16xf32>
      %mul3A_180 = arith.constant 2.000000e+00 : f32
      %mul3A_181 = vector.broadcast %mul3A_180 : f32 to vector<16xf32>
      %mul3A_182 = arith.mulf %mul3A_181, %div3A_178 : vector<16xf32>
      %mul3A_183 = arith.constant 0.111111112 : f32
      %mul3A_184 = vector.broadcast %mul3A_183 : f32 to vector<16xf32>
      %mul3A_185 = arith.mulf %mul3A_179, %mul3A_184 : vector<16xf32>
      %add3A_186 = arith.constant 0.142857149 : f32
      %add3A_187 = vector.broadcast %add3A_186 : f32 to vector<16xf32>
      %add3A_188 = arith.addf %add3A_187, %mul3A_185 : vector<16xf32>
      %mul3A_189 = arith.mulf %mul3A_179, %add3A_188 : vector<16xf32>
      %add3A_190 = arith.constant 2.000000e-01 : f32
      %add3A_191 = vector.broadcast %add3A_190 : f32 to vector<16xf32>
      %add3A_192 = arith.addf %add3A_191, %mul3A_189 : vector<16xf32>
      %mul3A_193 = arith.mulf %mul3A_179, %add3A_192 : vector<16xf32>
      %add3A_194 = arith.constant 0.333333343 : f32
      %add3A_195 = vector.broadcast %add3A_194 : f32 to vector<16xf32>
      %add3A_196 = arith.addf %add3A_195, %mul3A_193 : vector<16xf32>
      %mul3A_197 = arith.mulf %mul3A_179, %add3A_196 : vector<16xf32>
      %add3A_198 = arith.constant 1.000000e+00 : f32
      %add3A_199 = vector.broadcast %add3A_198 : f32 to vector<16xf32>
      %add3A_200 = arith.addf %add3A_199, %mul3A_197 : vector<16xf32>
      %mul3A_201 = arith.mulf %mul3A_182, %add3A_200 : vector<16xf32>
      %max3A_202 = arith.constant 0.000000e+00 : f32
      %max3A_203 = vector.broadcast %max3A_202 : f32 to vector<16xf32>
      %max3A_204 = arith.maximumf %mul3A_169, %max3A_203 : vector<16xf32>
      %add3A_205 = arith.addf %max3A_204, %mul3A_201 : vector<16xf32>
      %ne3A_206 = arith.constant 0.000000e+00 : f32
      %ne3A_207 = vector.broadcast %ne3A_206 : f32 to vector<16xf32>
      %ne3A_208 = arith.cmpf one, %get3A_167, %ne3A_207 : vector<16xf32>
      %jit3A_209 = arith.constant 0.000000e+00 : f32
      %broadcast_in_dim3A_210 = vector.broadcast %jit3A_209 : f32 to vector<16xf32>
      %select_n3A_211 = arith.select %ne3A_208, %add3A_205, %broadcast_in_dim3A_210 : vector<16xi1>, vector<16xf32>
      %jit3A_212 = arith.constant 1.000000e+00 : f32
      %jit3A_213 = arith.constant 0.000000e+00 : f32
      %broadcast_in_dim3A_214 = vector.broadcast %jit3A_212 : f32 to vector<16xf32>
      %broadcast_in_dim3A_215 = vector.broadcast %jit3A_213 : f32 to vector<16xf32>
      %select_n3A_216 = arith.select %ne3A_208, %broadcast_in_dim3A_214, %broadcast_in_dim3A_215 : vector<16xi1>, vector<16xf32>
      %add3A_217 = arith.addf %scan3A_48, %select_n3A_211 : vector<16xf32>
      %add3A_218 = arith.addf %scan3A_49, %select_n3A_216 : vector<16xf32>
      %add3A_219 = arith.constant 32 : i32
      %add3A_220 = arith.addi %mul3A_55, %add3A_219 : i32
      %get3A_221 = arith.index_cast %add3A_220 : i32 to index
      %get3A_222 = tpu.vector_load %arg8[%get3A_221] {strides = array<i32>} : memref<1536xi32, #tpu.memory_space<vmem>>, vector<16xi32>,
      %and3A_223 = arith.constant 255 : i32
      %and3A_224 = vector.broadcast %and3A_223 : i32 to vector<16xi32>
      %and3A_225 = arith.andi %get3A_222, %and3A_224 : vector<16xi32>
      %mul3A_226 = arith.constant 256 : i32
      %mul3A_227 = vector.broadcast %mul3A_226 : i32 to vector<16xi32>
      %mul3A_228 = arith.muli %and3A_225, %mul3A_227 : vector<16xi32>
      %shift_right_arithmetic3A_229 = arith.constant 8 : i32
      %shift_right_arithmetic3A_230 = vector.broadcast %shift_right_arithmetic3A_229 : i32 to vector<16xi32>
      %shift_right_arithmetic3A_231 = arith.shrsi %get3A_222, %shift_right_arithmetic3A_230 : vector<16xi32>
      %and3A_232 = arith.constant 255 : i32
      %and3A_233 = vector.broadcast %and3A_232 : i32 to vector<16xi32>
      %and3A_234 = arith.andi %shift_right_arithmetic3A_231, %and3A_233 : vector<16xi32>
      %add3A_235 = arith.addi %mul3A_228, %and3A_234 : vector<16xi32>
      %shift_right_arithmetic3A_236 = arith.constant 16 : i32
      %shift_right_arithmetic3A_237 = vector.broadcast %shift_right_arithmetic3A_236 : i32 to vector<16xi32>
      %shift_right_arithmetic3A_238 = arith.shrsi %get3A_222, %shift_right_arithmetic3A_237 : vector<16xi32>
      %and3A_239 = arith.constant 255 : i32
      %and3A_240 = vector.broadcast %and3A_239 : i32 to vector<16xi32>
      %and3A_241 = arith.andi %shift_right_arithmetic3A_238, %and3A_240 : vector<16xi32>
      %mul3A_242 = arith.constant 256 : i32
      %mul3A_243 = vector.broadcast %mul3A_242 : i32 to vector<16xi32>
      %mul3A_244 = arith.muli %and3A_241, %mul3A_243 : vector<16xi32>
      %shift_right_arithmetic3A_245 = arith.constant 24 : i32
      %shift_right_arithmetic3A_246 = vector.broadcast %shift_right_arithmetic3A_245 : i32 to vector<16xi32>
      %shift_right_arithmetic3A_247 = arith.shrsi %get3A_222, %shift_right_arithmetic3A_246 : vector<16xi32>
      %and3A_248 = arith.constant 255 : i32
      %and3A_249 = vector.broadcast %and3A_248 : i32 to vector<16xi32>
      %and3A_250 = arith.andi %shift_right_arithmetic3A_247, %and3A_249 : vector<16xi32>
      %add3A_251 = arith.addi %mul3A_244, %and3A_250 : vector<16xi32>
      %gather3A_252 = tpu.vector_load_idx %arg7[%add3A_235] : memref<65536xf32, #tpu.memory_space<vmem>>[vector<16xi32>], vector<16xf32>,
      %gather3A_253 = tpu.vector_load_idx %arg7[%add3A_251] : memref<65536xf32, #tpu.memory_space<vmem>>[vector<16xi32>], vector<16xf32>,
      %get3A_254 = arith.index_cast %add3A_220 : i32 to index
      %get3A_255 = tpu.vector_load %arg9[%get3A_254] {strides = array<i32>} : memref<1536xf32, #tpu.memory_space<vmem>>, vector<16xf32>,
      %sub3A_256 = arith.subf %gather3A_252, %gather3A_253 : vector<16xf32>
      %mul3A_257 = arith.mulf %get3A_255, %sub3A_256 : vector<16xf32>
      %abs3A_258 = math.absf %mul3A_257 : vector<16xf32>
      %neg3A_259 = arith.constant 0.000000e+00 : f32
      %neg3A_260 = vector.broadcast %neg3A_259 : f32 to vector<16xf32>
      %neg3A_261 = arith.subf %neg3A_260, %abs3A_258 : vector<16xf32>
      %exp3A_262 = math.exp %neg3A_261 : vector<16xf32>
      %add3A_263 = arith.constant 2.000000e+00 : f32
      %add3A_264 = vector.broadcast %add3A_263 : f32 to vector<16xf32>
      %add3A_265 = arith.addf %add3A_264, %exp3A_262 : vector<16xf32>
      %div3A_266 = arith.divf %exp3A_262, %add3A_265 : vector<16xf32>
      %mul3A_267 = arith.mulf %div3A_266, %div3A_266 : vector<16xf32>
      %mul3A_268 = arith.constant 2.000000e+00 : f32
      %mul3A_269 = vector.broadcast %mul3A_268 : f32 to vector<16xf32>
      %mul3A_270 = arith.mulf %mul3A_269, %div3A_266 : vector<16xf32>
      %mul3A_271 = arith.constant 0.111111112 : f32
      %mul3A_272 = vector.broadcast %mul3A_271 : f32 to vector<16xf32>
      %mul3A_273 = arith.mulf %mul3A_267, %mul3A_272 : vector<16xf32>
      %add3A_274 = arith.constant 0.142857149 : f32
      %add3A_275 = vector.broadcast %add3A_274 : f32 to vector<16xf32>
      %add3A_276 = arith.addf %add3A_275, %mul3A_273 : vector<16xf32>
      %mul3A_277 = arith.mulf %mul3A_267, %add3A_276 : vector<16xf32>
      %add3A_278 = arith.constant 2.000000e-01 : f32
      %add3A_279 = vector.broadcast %add3A_278 : f32 to vector<16xf32>
      %add3A_280 = arith.addf %add3A_279, %mul3A_277 : vector<16xf32>
      %mul3A_281 = arith.mulf %mul3A_267, %add3A_280 : vector<16xf32>
      %add3A_282 = arith.constant 0.333333343 : f32
      %add3A_283 = vector.broadcast %add3A_282 : f32 to vector<16xf32>
      %add3A_284 = arith.addf %add3A_283, %mul3A_281 : vector<16xf32>
      %mul3A_285 = arith.mulf %mul3A_267, %add3A_284 : vector<16xf32>
      %add3A_286 = arith.constant 1.000000e+00 : f32
      %add3A_287 = vector.broadcast %add3A_286 : f32 to vector<16xf32>
      %add3A_288 = arith.addf %add3A_287, %mul3A_285 : vector<16xf32>
      %mul3A_289 = arith.mulf %mul3A_270, %add3A_288 : vector<16xf32>
      %max3A_290 = arith.constant 0.000000e+00 : f32
      %max3A_291 = vector.broadcast %max3A_290 : f32 to vector<16xf32>
      %max3A_292 = arith.maximumf %mul3A_257, %max3A_291 : vector<16xf32>
      %add3A_293 = arith.addf %max3A_292, %mul3A_289 : vector<16xf32>
      %ne3A_294 = arith.constant 0.000000e+00 : f32
      %ne3A_295 = vector.broadcast %ne3A_294 : f32 to vector<16xf32>
      %ne3A_296 = arith.cmpf one, %get3A_255, %ne3A_295 : vector<16xf32>
      %jit3A_297 = arith.constant 0.000000e+00 : f32
      %broadcast_in_dim3A_298 = vector.broadcast %jit3A_297 : f32 to vector<16xf32>
      %select_n3A_299 = arith.select %ne3A_296, %add3A_293, %broadcast_in_dim3A_298 : vector<16xi1>, vector<16xf32>
      %jit3A_300 = arith.constant 1.000000e+00 : f32
      %jit3A_301 = arith.constant 0.000000e+00 : f32
      %broadcast_in_dim3A_302 = vector.broadcast %jit3A_300 : f32 to vector<16xf32>
      %broadcast_in_dim3A_303 = vector.broadcast %jit3A_301 : f32 to vector<16xf32>
      %select_n3A_304 = arith.select %ne3A_296, %broadcast_in_dim3A_302, %broadcast_in_dim3A_303 : vector<16xi1>, vector<16xf32>
      %add3A_305 = arith.addf %scan3A_50, %select_n3A_299 : vector<16xf32>
      %add3A_306 = arith.addf %scan3A_51, %select_n3A_304 : vector<16xf32>
      %add3A_307 = arith.constant 48 : i32
      %add3A_308 = arith.addi %mul3A_55, %add3A_307 : i32
      %get3A_309 = arith.index_cast %add3A_308 : i32 to index
      %get3A_310 = tpu.vector_load %arg8[%get3A_309] {strides = array<i32>} : memref<1536xi32, #tpu.memory_space<vmem>>, vector<16xi32>,
      %and3A_311 = arith.constant 255 : i32
      %and3A_312 = vector.broadcast %and3A_311 : i32 to vector<16xi32>
      %and3A_313 = arith.andi %get3A_310, %and3A_312 : vector<16xi32>
      %mul3A_314 = arith.constant 256 : i32
      %mul3A_315 = vector.broadcast %mul3A_314 : i32 to vector<16xi32>
      %mul3A_316 = arith.muli %and3A_313, %mul3A_315 : vector<16xi32>
      %shift_right_arithmetic3A_317 = arith.constant 8 : i32
      %shift_right_arithmetic3A_318 = vector.broadcast %shift_right_arithmetic3A_317 : i32 to vector<16xi32>
      %shift_right_arithmetic3A_319 = arith.shrsi %get3A_310, %shift_right_arithmetic3A_318 : vector<16xi32>
      %and3A_320 = arith.constant 255 : i32
      %and3A_321 = vector.broadcast %and3A_320 : i32 to vector<16xi32>
      %and3A_322 = arith.andi %shift_right_arithmetic3A_319, %and3A_321 : vector<16xi32>
      %add3A_323 = arith.addi %mul3A_316, %and3A_322 : vector<16xi32>
      %shift_right_arithmetic3A_324 = arith.constant 16 : i32
      %shift_right_arithmetic3A_325 = vector.broadcast %shift_right_arithmetic3A_324 : i32 to vector<16xi32>
      %shift_right_arithmetic3A_326 = arith.shrsi %get3A_310, %shift_right_arithmetic3A_325 : vector<16xi32>
      %and3A_327 = arith.constant 255 : i32
      %and3A_328 = vector.broadcast %and3A_327 : i32 to vector<16xi32>
      %and3A_329 = arith.andi %shift_right_arithmetic3A_326, %and3A_328 : vector<16xi32>
      %mul3A_330 = arith.constant 256 : i32
      %mul3A_331 = vector.broadcast %mul3A_330 : i32 to vector<16xi32>
      %mul3A_332 = arith.muli %and3A_329, %mul3A_331 : vector<16xi32>
      %shift_right_arithmetic3A_333 = arith.constant 24 : i32
      %shift_right_arithmetic3A_334 = vector.broadcast %shift_right_arithmetic3A_333 : i32 to vector<16xi32>
      %shift_right_arithmetic3A_335 = arith.shrsi %get3A_310, %shift_right_arithmetic3A_334 : vector<16xi32>
      %and3A_336 = arith.constant 255 : i32
      %and3A_337 = vector.broadcast %and3A_336 : i32 to vector<16xi32>
      %and3A_338 = arith.andi %shift_right_arithmetic3A_335, %and3A_337 : vector<16xi32>
      %add3A_339 = arith.addi %mul3A_332, %and3A_338 : vector<16xi32>
      %gather3A_340 = tpu.vector_load_idx %arg7[%add3A_323] : memref<65536xf32, #tpu.memory_space<vmem>>[vector<16xi32>], vector<16xf32>,
      %gather3A_341 = tpu.vector_load_idx %arg7[%add3A_339] : memref<65536xf32, #tpu.memory_space<vmem>>[vector<16xi32>], vector<16xf32>,
      %get3A_342 = arith.index_cast %add3A_308 : i32 to index
      %get3A_343 = tpu.vector_load %arg9[%get3A_342] {strides = array<i32>} : memref<1536xf32, #tpu.memory_space<vmem>>, vector<16xf32>,
      %sub3A_344 = arith.subf %gather3A_340, %gather3A_341 : vector<16xf32>
      %mul3A_345 = arith.mulf %get3A_343, %sub3A_344 : vector<16xf32>
      %abs3A_346 = math.absf %mul3A_345 : vector<16xf32>
      %neg3A_347 = arith.constant 0.000000e+00 : f32
      %neg3A_348 = vector.broadcast %neg3A_347 : f32 to vector<16xf32>
      %neg3A_349 = arith.subf %neg3A_348, %abs3A_346 : vector<16xf32>
      %exp3A_350 = math.exp %neg3A_349 : vector<16xf32>
      %add3A_351 = arith.constant 2.000000e+00 : f32
      %add3A_352 = vector.broadcast %add3A_351 : f32 to vector<16xf32>
      %add3A_353 = arith.addf %add3A_352, %exp3A_350 : vector<16xf32>
      %div3A_354 = arith.divf %exp3A_350, %add3A_353 : vector<16xf32>
      %mul3A_355 = arith.mulf %div3A_354, %div3A_354 : vector<16xf32>
      %mul3A_356 = arith.constant 2.000000e+00 : f32
      %mul3A_357 = vector.broadcast %mul3A_356 : f32 to vector<16xf32>
      %mul3A_358 = arith.mulf %mul3A_357, %div3A_354 : vector<16xf32>
      %mul3A_359 = arith.constant 0.111111112 : f32
      %mul3A_360 = vector.broadcast %mul3A_359 : f32 to vector<16xf32>
      %mul3A_361 = arith.mulf %mul3A_355, %mul3A_360 : vector<16xf32>
      %add3A_362 = arith.constant 0.142857149 : f32
      %add3A_363 = vector.broadcast %add3A_362 : f32 to vector<16xf32>
      %add3A_364 = arith.addf %add3A_363, %mul3A_361 : vector<16xf32>
      %mul3A_365 = arith.mulf %mul3A_355, %add3A_364 : vector<16xf32>
      %add3A_366 = arith.constant 2.000000e-01 : f32
      %add3A_367 = vector.broadcast %add3A_366 : f32 to vector<16xf32>
      %add3A_368 = arith.addf %add3A_367, %mul3A_365 : vector<16xf32>
      %mul3A_369 = arith.mulf %mul3A_355, %add3A_368 : vector<16xf32>
      %add3A_370 = arith.constant 0.333333343 : f32
      %add3A_371 = vector.broadcast %add3A_370 : f32 to vector<16xf32>
      %add3A_372 = arith.addf %add3A_371, %mul3A_369 : vector<16xf32>
      %mul3A_373 = arith.mulf %mul3A_355, %add3A_372 : vector<16xf32>
      %add3A_374 = arith.constant 1.000000e+00 : f32
      %add3A_375 = vector.broadcast %add3A_374 : f32 to vector<16xf32>
      %add3A_376 = arith.addf %add3A_375, %mul3A_373 : vector<16xf32>
      %mul3A_377 = arith.mulf %mul3A_358, %add3A_376 : vector<16xf32>
      %max3A_378 = arith.constant 0.000000e+00 : f32
      %max3A_379 = vector.broadcast %max3A_378 : f32 to vector<16xf32>
      %max3A_380 = arith.maximumf %mul3A_345, %max3A_379 : vector<16xf32>
      %add3A_381 = arith.addf %max3A_380, %mul3A_377 : vector<16xf32>
      %ne3A_382 = arith.constant 0.000000e+00 : f32
      %ne3A_383 = vector.broadcast %ne3A_382 : f32 to vector<16xf32>
      %ne3A_384 = arith.cmpf one, %get3A_343, %ne3A_383 : vector<16xf32>
      %jit3A_385 = arith.constant 0.000000e+00 : f32
      %broadcast_in_dim3A_386 = vector.broadcast %jit3A_385 : f32 to vector<16xf32>
      %select_n3A_387 = arith.select %ne3A_384, %add3A_381, %broadcast_in_dim3A_386 : vector<16xi1>, vector<16xf32>
      %jit3A_388 = arith.constant 1.000000e+00 : f32
      %jit3A_389 = arith.constant 0.000000e+00 : f32
      %broadcast_in_dim3A_390 = vector.broadcast %jit3A_388 : f32 to vector<16xf32>
      %broadcast_in_dim3A_391 = vector.broadcast %jit3A_389 : f32 to vector<16xf32>
      %select_n3A_392 = arith.select %ne3A_384, %broadcast_in_dim3A_390, %broadcast_in_dim3A_391 : vector<16xi1>, vector<16xf32>
      %add3A_393 = arith.addf %scan3A_52, %select_n3A_387 : vector<16xf32>
      %add3A_394 = arith.addf %scan3A_53, %select_n3A_392 : vector<16xf32>
      scf.yield %add3A_129, %add3A_130, %add3A_217, %add3A_218, %add3A_305, %add3A_306, %add3A_393, %add3A_394 : vector<16xf32>, vector<16xf32>, vector<16xf32>, vector<16xf32>, vector<16xf32>, vector<16xf32>, vector<16xf32>, vector<16xf32>
    }
    %scan3A_32 = arith.constant 24 : i32
    %add3A = arith.addf %scan3A_31#0, %scan3A_31#2 : vector<16xf32>
    %add3A_33 = arith.addf %scan3A_31#1, %scan3A_31#3 : vector<16xf32>
    %add3A_34 = arith.addf %add3A, %scan3A_31#4 : vector<16xf32>
    %add3A_35 = arith.addf %add3A_33, %scan3A_31#5 : vector<16xf32>
    %add3A_36 = arith.addf %add3A_34, %scan3A_31#6 : vector<16xf32>
    %add3A_37 = arith.addf %add3A_35, %scan3A_31#7 : vector<16xf32>
    %swap3A = arith.constant 0 : index
    %swap3A_38 = tpu.vector_load %arg10[%swap3A] {strides = array<i32>} : memref<16xf32, #tpu.memory_space<vmem>>, vector<16xf32>,
    tpu.vector_store %arg10[%swap3A], %add3A_36 {strides = array<i32>} : memref<16xf32, #tpu.memory_space<vmem>>, vector<16xf32>,
    %swap3A_39 = arith.constant 0 : index
    %swap3A_40 = tpu.vector_load %arg11[%swap3A_39] {strides = array<i32>} : memref<16xf32, #tpu.memory_space<vmem>>, vector<16xf32>,
    tpu.vector_store %arg11[%swap3A_39], %add3A_37 {strides = array<i32>} : memref<16xf32, #tpu.memory_space<vmem>>, vector<16xf32>,
    %mul3A_41 = arith.constant 16 : i32
    %mul3A_42 = arith.muli %arg0, %mul3A_41 : i32
    "tpu.region"() ({
      %run_scoped3A = tpu.sem_alloc : memref<!tpu.dma_semaphore, #tpu.memory_space<semaphore_mem>>
      %dma_start3A_45 = tpu.memref_slice %arg5[%arg1, %mul3A_42] : memref<16x32xf32, #tpu.memory_space<hbm>> -> memref<1x16xf32, #tpu.memory_space<hbm>>
      %dma_start3A_46 = tpu.memref_squeeze %dma_start3A_45 : memref<1x16xf32, #tpu.memory_space<hbm>> -> memref<16xf32, #tpu.memory_space<hbm>>
      %dma_start3A_47 = tpu.memref_slice %arg5[%arg1, %mul3A_42] : memref<16x32xf32, #tpu.memory_space<hbm>> -> memref<1x16xf32, #tpu.memory_space<hbm>>
      %dma_start3A_48 = tpu.memref_squeeze %dma_start3A_47 : memref<1x16xf32, #tpu.memory_space<hbm>> -> memref<16xf32, #tpu.memory_space<hbm>>
      tpu.enqueue_dma source(%arg10 : memref<16xf32, #tpu.memory_space<vmem>>) target(%dma_start3A_48 : memref<16xf32, #tpu.memory_space<hbm>>) target_semaphore(%run_scoped3A : memref<!tpu.dma_semaphore, #tpu.memory_space<semaphore_mem>>)
      %dma_wait3A_49 = tpu.memref_slice %arg5[%arg1, %mul3A_42] : memref<16x32xf32, #tpu.memory_space<hbm>> -> memref<1x16xf32, #tpu.memory_space<hbm>>
      %dma_wait3A_50 = tpu.memref_squeeze %dma_wait3A_49 : memref<1x16xf32, #tpu.memory_space<hbm>> -> memref<16xf32, #tpu.memory_space<hbm>>
      %dma_wait3A_51 = tpu.memref_slice %arg5[%arg1, %mul3A_42] : memref<16x32xf32, #tpu.memory_space<hbm>> -> memref<1x16xf32, #tpu.memory_space<hbm>>
      %dma_wait3A_52 = tpu.memref_squeeze %dma_wait3A_51 : memref<1x16xf32, #tpu.memory_space<hbm>> -> memref<16xf32, #tpu.memory_space<hbm>>
      tpu.wait_dma2 semaphore(%run_scoped3A : memref<!tpu.dma_semaphore, #tpu.memory_space<semaphore_mem>>) src(%arg10 : memref<16xf32, #tpu.memory_space<vmem>>) dst(%dma_wait3A_52 : memref<16xf32, #tpu.memory_space<hbm>>)
      tpu.yield
    }) : () -> ()
    %mul3A_43 = arith.constant 16 : i32
    %mul3A_44 = arith.muli %arg0, %mul3A_43 : i32
    "tpu.region"() ({
      %run_scoped3A = tpu.sem_alloc : memref<!tpu.dma_semaphore, #tpu.memory_space<semaphore_mem>>
      %dma_start3A_45 = tpu.memref_slice %arg6[%arg1, %mul3A_44] : memref<16x32xf32, #tpu.memory_space<hbm>> -> memref<1x16xf32, #tpu.memory_space<hbm>>
      %dma_start3A_46 = tpu.memref_squeeze %dma_start3A_45 : memref<1x16xf32, #tpu.memory_space<hbm>> -> memref<16xf32, #tpu.memory_space<hbm>>
      %dma_start3A_47 = tpu.memref_slice %arg6[%arg1, %mul3A_44] : memref<16x32xf32, #tpu.memory_space<hbm>> -> memref<1x16xf32, #tpu.memory_space<hbm>>
      %dma_start3A_48 = tpu.memref_squeeze %dma_start3A_47 : memref<1x16xf32, #tpu.memory_space<hbm>> -> memref<16xf32, #tpu.memory_space<hbm>>
      tpu.enqueue_dma source(%arg11 : memref<16xf32, #tpu.memory_space<vmem>>) target(%dma_start3A_48 : memref<16xf32, #tpu.memory_space<hbm>>) target_semaphore(%run_scoped3A : memref<!tpu.dma_semaphore, #tpu.memory_space<semaphore_mem>>)
      %dma_wait3A_49 = tpu.memref_slice %arg6[%arg1, %mul3A_44] : memref<16x32xf32, #tpu.memory_space<hbm>> -> memref<1x16xf32, #tpu.memory_space<hbm>>
      %dma_wait3A_50 = tpu.memref_squeeze %dma_wait3A_49 : memref<1x16xf32, #tpu.memory_space<hbm>> -> memref<16xf32, #tpu.memory_space<hbm>>
      %dma_wait3A_51 = tpu.memref_slice %arg6[%arg1, %mul3A_44] : memref<16x32xf32, #tpu.memory_space<hbm>> -> memref<1x16xf32, #tpu.memory_space<hbm>>
      %dma_wait3A_52 = tpu.memref_squeeze %dma_wait3A_51 : memref<1x16xf32, #tpu.memory_space<hbm>> -> memref<16xf32, #tpu.memory_space<hbm>>
      tpu.wait_dma2 semaphore(%run_scoped3A : memref<!tpu.dma_semaphore, #tpu.memory_space<semaphore_mem>>) src(%arg11 : memref<16xf32, #tpu.memory_space<vmem>>) dst(%dma_wait3A_52 : memref<16xf32, #tpu.memory_space<hbm>>)
      tpu.yield
    }) : () -> ()
    return
  }
}

</mosaic_0001>

<sc_bundles>
// kernel: _sc_partials.3.cloned.1.call-start
scs
__scs_entry_jumppad:
0x0: {  	(pc) =	sbr.rel $0x88, $3  }
0x1: {  	(tag) =	ssettag $0x0;
	lr =	simm.s32 $0x1  }
0x2: {  	[smem:$0x3F9E] =	sst lr;
	_ =	strace $0xD0000000  }
0x3: {  	_ = 	snop  }
0x4: {  	_ = 	snop  }
0x5: {  	_ = 	snop  }
0x6: {  	_ = 	snop  }
0x7: {  	_ = 	snop  }
__scs_overlays_trampoline_lowered:
0x8: {  	[smem:$0x3FAD] =	sst s0  }
0x9: {  	[smem:$0x3FAE] =	sst s1  }
0xa: {  	[smem:$0x3FAF] =	sst s2  }
0xb: {  	[smem:$0x3FB0] =	sst s3  }
0xc: {  	[smem:$0x3FB1] =	sst s4  }
0xd: {  	[smem:$0x3FB2] =	sst s5  }
0xe: {  	[smem:$0x3FB3] =	sst s6  }
0xf: {  	[smem:$0x3FB4] =	sst s7  }
0x10: {  	[smem:$0x3FB5] =	sst s8  }
0x11: {  	[smem:$0x3FB6] =	sst s9;
	s0 =	simm.s32 @!p0 $0x0  }
0x12: {  	s1 =	sld [smem:$0x3F9C];
	s0 =	simm.s32 @p0 $0x1  }
0x13: {  	[smem:$0x3FB7] =	sst s0;
	s0 =	simm.s32 @!p1 $0x0  }
0x14: {  	s2 =	sld [smem:$0x3F9B];
	s0 =	simm.s32 @p1 $0x1  }
0x15: {  	[smem:$0x3FB8] =	sst s0;
	s0 =	simm.s32 @!p2 $0x0  }
0x16: {  	s3 =	sld [smem:$0x3FDB];
	s0 =	simm.s32 @p2 $0x1  }
0x17: {  	s4 =	simm.s32 $0x1BF5;
	[smem:$0x3FBA] =	sst s0  }
0x18: {  	s0 =	sld [smem:$0x3F9D];
	_ =	swait.ge [sflag:s4], $0x0  }
0x19: {  	s7 =	sld [smem:$0x3F9E]  }
0x1a: {  	s8 =	sadd.s32 $0xFFFFE003, lr  }
0x1b: {  	s9 =	sadd.s32 $0xFFFFFEF7, lr;
	s5 =	simm.s32 $0xFFFFFFFF;
	p2 =	slt.u32 s8, $0xFFFFF086  }
0x1c: {  	p1 =	slt.u32 s9, $0xF7A;
	s5 =	simm.s32 @!p2 $0x0  }
0x1d: {  	s5 =	simm.s32 @p1 $0x1;
	p0 =	seq.s32 s7, s2  }
0x1e: {  	s7 =	smul.u32 @!p0 $0xF7A, s2;
	p2 =	seq.s32 @!p0 s5, $0x0  }
0x1f: {  	s9 =	smul.u32 $0xF7A, s1;
	s8 =	simm.s32 @!p0 $0x1BF5;
	p2 =	por !p2, p0  }
0x20: {  	[sflag:s8] =	ssyncset.s32 @!p0 $0xFFFFF086;
	s6 =	sadd.s32 @!p0 s3, s7;
	s7 =	simm.s32 @!p0 $0x108  }
0x21: {  	s3 =	sadd.s32 s3, s9;
	s6 =	sadd.s32 @!p0 $0x88, s6;
	s7 =	simm.s32 @p2 $0x1082  }
0x22: {  	[simem:s7], [sflag:s8] =	dma.local @!p0 [hbm:s6], $0xF7A  }
0x23: {  	s9 =	sor.u32 $0xD0000000, s2;
	s6 =	simm.s32 $0x108;
	_ =	swait.ge @!p0 [sflag:s8], $0x0  }
0x24: {  	s3 =	sadd.s32 $0x88, s3;
	s6 =	simm.s32 @!p1 $0x1082;
	[sflag:s4] =	ssyncset.s32 $0xFFFFF086  }
0x25: {  	[simem:s6], [sflag:s4] =	dma.local [hbm:s3], $0xF7A  }
0x26: {  	[smem:$0x3F9E] =	sst s1;
	(tag) =	ssettag s2;
	_ =	strace s9  }
0x27: {  	s1 =	sld [smem:$0x3FAE]  }
0x28: {  	s2 =	sld [smem:$0x3FAF]  }
0x29: {  	s4 =	sld [smem:$0x3FB1]  }
0x2a: {  	p0 =	seq.s32 s5, $0x0;
	s5 =	sld [smem:$0x3FB2]  }
0x2b: {  	s6 =	sld [smem:$0x3FB3]  }
0x2c: {  	s7 =	sld [smem:$0x3FB4]  }
0x2d: {  	s3 =	simm.s32 $0x108;
	s8 =	sld [smem:$0x3FB5]  }
0x2e: {  	s3 =	simm.s32 @!p0 $0x1082;
	s9 =	sld [smem:$0x3FB6]  }
0x2f: {  	lr =	sadd.s32 s0, s3;
	s0 =	sld [smem:$0x3FAD]  }
0x30: {  	s3 =	sld [smem:$0x3FB0]  }
0x31: {  	[smem:$0x3FB9] =	sst s10  }
0x32: {  	s10 =	sld [smem:$0x3FB7];
	_ =	sdelay $0x3  }
0x33: {  	p0 =	seq.s32 s10, $0x1;
	s10 =	sld [smem:$0x3FB9];
	_ =	sdelay $0x3  }
0x34: {  	[smem:$0x3FB9] =	sst s10  }
0x35: {  	s10 =	sld [smem:$0x3FB8];
	_ =	sdelay $0x3  }
0x36: {  	p1 =	seq.s32 s10, $0x1;
	s10 =	sld [smem:$0x3FB9];
	_ =	sdelay $0x3  }
0x37: {  	[smem:$0x3FB9] =	sst s10  }
0x38: {  	s10 =	sld [smem:$0x3FBA]  }
0x39: {  	_ = 	snop;
	(pc) =	sbr.ind lr, $3  }
0x3a: {  	_ = 	snop  }
0x3b: {  	_ = 	snop  }
0x3c: {  	p2 =	seq.s32 s10, $0x1;
	s10 =	sld [smem:$0x3FB9]  }
0x3d: {  	_ =	shalt  }
0x3e: {  	_ =	shalt  }
0x3f: {  	_ =	shalt  }
0x40: {  	_ =	shalt  }
0x41: {  	_ =	shalt  }
0x42: {  	_ =	shalt  }
0x43: {  	_ =	shalt  }
0x44: {  	_ =	shalt  }
0x45: {  	_ =	shalt  }
0x46: {  	_ =	shalt  }
0x47: {  	_ =	shalt  }
0x48: {  	_ =	shalt  }
0x49: {  	_ =	shalt  }
0x4a: {  	_ =	shalt  }
0x4b: {  	_ =	shalt  }
0x4c: {  	_ =	shalt  }
0x4d: {  	_ =	shalt  }
0x4e: {  	_ =	shalt  }
0x4f: {  	_ =	shalt  }
0x50: {  	_ =	shalt  }
0x51: {  	_ =	shalt  }
0x52: {  	_ =	shalt  }
0x53: {  	_ =	shalt  }
0x54: {  	_ =	shalt  }
0x55: {  	_ =	shalt  }
0x56: {  	_ =	shalt  }
0x57: {  	_ =	shalt  }
0x58: {  	_ =	shalt  }
0x59: {  	_ =	shalt  }
0x5a: {  	_ =	shalt  }
0x5b: {  	_ =	shalt  }
0x5c: {  	_ =	shalt  }
0x5d: {  	_ =	shalt  }
0x5e: {  	_ =	shalt  }
0x5f: {  	_ =	shalt  }
0x60: {  	_ =	shalt  }
0x61: {  	_ =	shalt  }
0x62: {  	_ =	shalt  }
0x63: {  	_ =	shalt  }
0x64: {  	_ =	shalt  }
0x65: {  	_ =	shalt  }
0x66: {  	_ =	shalt  }
0x67: {  	_ =	shalt  }
0x68: {  	_ =	shalt  }
0x69: {  	_ =	shalt  }
0x6a: {  	_ =	shalt  }
0x6b: {  	_ =	shalt  }
0x6c: {  	_ =	shalt  }
0x6d: {  	_ =	shalt  }
0x6e: {  	_ =	shalt  }
0x6f: {  	_ =	shalt  }
0x70: {  	_ =	shalt  }
0x71: {  	_ =	shalt  }
0x72: {  	_ =	shalt  }
0x73: {  	_ =	shalt  }
0x74: {  	_ =	shalt  }
0x75: {  	_ =	shalt  }
0x76: {  	_ =	shalt  }
0x77: {  	_ =	shalt  }
0x78: {  	_ =	shalt  }
0x79: {  	_ =	shalt  }
0x7a: {  	_ =	shalt  }
0x7b: {  	_ =	shalt  }
0x7c: {  	_ =	shalt  }
0x7d: {  	_ =	shalt  }
0x7e: {  	_ =	shalt  }
0x7f: {  	_ =	shalt  }
0x80: {  	_ =	shalt  }
0x81: {  	_ =	shalt  }
0x82: {  	_ =	shalt  }
0x83: {  	_ =	shalt  }
0x84: {  	_ =	shalt  }
0x85: {  	_ =	shalt  }
0x86: {  	_ =	shalt  }
0x87: {  	_ =	shalt  }
.Lfunc_end0:
.L_simem_size_0:
called_computation_lowered:
.L_overlay_start_0:
0x88: {  	s2 =	sld [smem:$0x3FD9]  }
0x89: {  	s3 =	sld [smem:$0x3FFE];
	_ =	sdelay $0x1  }
0x8a: {  	s1 =	srdreg.scid  }
0x8b: {  	s0 =	sand.u32 $0x1, s1  }
0x8c: {  	s15 =	sshll.u32 s0, $0xA;
	s2 =	sadd.s32 s3, s2  }
0x8d: {  	s2 =	sadd.s32 s2, s15  }
0x8e: {  	[smem:$0x3FC5] =	sst s2  }
0x8f: {  	_ = 	snop  }
0x90: {  	s2 =	sld [smem:$0x3FD0]  }
0x91: {  	s16 =	sld [smem:$0x3FC9]  }
0x92: {  	s4 =	sld [smem:$0x3FC8]  }
0x93: {  	s6 =	simm.s32 $0xA;
	s7 =	simm.s32 $0x10;
	s5 =	sld [smem:$0x3FC7]  }
0x94: {  	[smem:s7], [sflag:s6] =	dma.local [hbm:s2], $0x1  }
0x95: {  	_ =	swait.eq [sflag:s6], $0x1  }
0x96: {  	[sflag:s6] =	ssyncset.done $0x0  }
0x97: {  	s17 =	sld [smem:$0x10];
	[sflag:s6] =	ssyncadd.s32 $0xFFFFFFFF  }
0x98: {  	s18 =	sld [smem:$0x11];
	(tm) =	ssettm $0x1  }
0x99: {  	s19 =	sld [smem:$0x3FFB];
	_ =	sdelay $0x3  }
0x9a: {  	_ =	strace s19  }
0x9b: {  	s7 =	sld [smem:$0x3FFC];
	_ =	sdelay $0x3  }
0x9c: {  	_ =	strace s7  }
0x9d: {  	s7 =	sld [smem:$0x3FFD];
	_ =	sdelay $0x3  }
0x9e: {  	_ =	strace s7  }
0x9f: {  	_ =	strace $0x8FFFFFFF  }
0xa0: {  	s20 =	sld [smem:$0x3FDB];
	_ =	sdelay $0x1  }
0xa1: {  	s8 =	simm.s32 $_scs_section_size  }
0xa2: {  	s9 =	simm.s32 $_size__tile_overlayer_lowered;
	s10 =	simm.s32 $_tile_overlayer_lowered  }
0xa3: {  	s23 =	simm.s32 $0x1BFF;
	s22 =	sshll.u32 s10, $0x1;
	s7 =	sadd.s32 s8, s20  }
0xa4: {  	s11 =	simm.s32 $0x0;
	s21 =	sshll.u32 s9, $0x1;
	s9 =	sadd.s32 s22, s7  }
0xa5: {  	[timem:s11], [sflag:s23] =	dma.local [hbm:s9], s21  }
0xa6: {  	_ =	swait.ge [sflag:s23], s21  }
0xa7: {  	s8 =	ssub.s32 $0x0, s21;
	[sflag:s23] =	ssyncset.done $0x0  }
0xa8: {  	[sflag:s23] =	ssyncadd.s32 s8;
	_ =	sdelay $0x1  }
0xa9: {  	s24 =	simm.s32 $0x1B8B  }
0xaa: {  	_ =	swait.ge [sflag:s24], $0x1  }
0xab: {  	[sflag:s24] =	ssyncset.done $0x0  }
0xac: {  	s25 =	simm.s32 $0x1B8E;
	[sflag:s24] =	ssyncadd.s32 $0xFFFFFFFF  }
0xad: {  	s26 =	simm.s32 $execute0_lowered;
	[smem:$0x3FD2] =	sst s25  }
0xae: {  	s8 =	sshll.u32 s26, $0x1;
	_ =	strace $0x80000046;
	[dreg:$0x1] =	wrdreg $0xFFFFFFFF  }
0xaf: {  	s28 =	simm.s32 $_size_execute0_lowered;
	s7 =	sadd.s32 s7, s8;
	[dreg:$0x0] =	wrdreg $0x0  }
0xb0: {  	s8 =	sshll.u32 s28, $0x1;
	[dreg:$0x2] =	wrdreg s7  }
0xb1: {  	[dreg:$0x3] =	wrdreg s8  }
0xb2: {  	[dreg:$0x4] =	wrdreg $0xC0  }
0xb3: {  	_ =	task [dreg:s11], $0x5FFFF  }
0xb4: {  	[dreg:$0x1] =	wrdreg $0xFFFFFFFF  }
0xb5: {  	[dreg:$0x0] =	wrdreg $0x60  }
0xb6: {  	[dreg:$0x2] =	wrdreg s16  }
0xb7: {  	[dreg:$0x3] =	wrdreg s4  }
0xb8: {  	[dreg:$0x4] =	wrdreg s5  }
0xb9: {  	[dreg:$0x5] =	wrdreg s17  }
0xba: {  	[dreg:$0x6] =	wrdreg s18  }
0xbb: {  	[dreg:$0x7] =	wrdreg $0x9  }
0xbc: {  	_ =	task.clear_ibuf [dreg:s11], $0x8FFFF;
	_ =	strace $0x90000046  }
0xbd: {  	s29 =	simm.s32 $0x9;
	_ =	strace $0x80000048  }
0xbe: {  	_ =	swait.ge [sflag:s29], $0x1  }
0xbf: {  	[sflag:s29] =	ssyncadd.s32 $0xFFFFFFFF  }
0xc0: {  	_ =	strace $0x90000048  }
0xc1: {  	_ =	sfence  }
0xc2: {  	s30 =	sld [smem:$0x0];
	_ =	sdelay $0x2  }
0xc3: {  	s31 =	sshll.u32 s1, $0xD;
	s1 =	sshrl.u32 s1, $0x2  }
0xc4: {  	s3 =	sand.u32 $0x4000, s31;
	s1 =	sadd.s32 s1, s30  }
0xc5: {  	s0 =	sor.u32 s3, s0;
	s1 =	sshll.u32 s1, $0x11  }
0xc6: {  	s0 =	sor.u32 s1, s0  }
0xc7: {  	s0 =	sadd.s32 $0x8F2B, s0  }
0xc8: {  	[sflag:s0] =	ssyncadd.remote.s32 $0x1  }
0xc9: {  	_ =	sfence.sel $0xFFFF  }
0xca: {  	[dreg:$0x0] =	wrdreg $0xFFFFFFFF;
	(pc) =	sbr.abs _section_cstart, $3  }
0xcb: {  	[dreg:$0x1] =	wrdreg $0xFFFFFFFF  }
0xcc: {  	_ =	task.clear_ibuf [dreg:s11], $0x2FFFF;
	_ =	strace $0x9FFFFFFF  }
0xcd: {  	(tm) =	ssettm $0x7FFFFFFF  }
tec
execute0_lowered:
.L_overlay_start_1:
0x0: {  	(tag) =	ssettag $0x1  }
0x1: {  	vm0 =	vcmask $0x0;
	v0 =	vimm.s32 $0x3C3C3C3C;
	v1 =	vimm.s32 $0x3030303  }
0x2: {  	vm14 =	vcmask $0x101;
	v0 =	vsel vm0, v1, v0;
	v1 =	vimm.s32 $0x2020202  }
0x3: {  	vm15 =	vcmask $0x202;
	v0 =	vsel vm14, v1, v0;
	v1 =	vimm.s32 $0x1010101  }
0x4: {  	vm4 =	vcmask $0x303;
	v0 =	vsel vm15, v1, v0;
	v1 =	vimm.s32 $0x0  }
0x5: {  	vm5 =	vcmask $0x404;
	v0 =	vsel vm4, v1, v0;
	v1 =	vimm.s32 $0x7070707  }
0x6: {  	vm6 =	vcmask $0x505;
	v0 =	vsel vm5, v1, v0;
	v1 =	vimm.s32 $0x6060606  }
0x7: {  	vm7 =	vcmask $0x606;
	v0 =	vsel vm6, v1, v0;
	v1 =	vimm.s32 $0x5050505  }
0x8: {  	vm8 =	vcmask $0x707;
	v0 =	vsel vm7, v1, v0;
	v1 =	vimm.s32 $0x4040404  }
0x9: {  	vm9 =	vcmask $0x808;
	v0 =	vsel vm8, v1, v0;
	v1 =	vimm.s32 $0xB0B0B0B  }
0xa: {  	vm10 =	vcmask $0x909;
	v0 =	vsel vm9, v1, v0;
	v1 =	vimm.s32 $0xA0A0A0A  }
0xb: {  	vm11 =	vcmask $0xA0A;
	v0 =	vsel vm10, v1, v0;
	v1 =	vimm.s32 $0x9090909  }
0xc: {  	vm12 =	vcmask $0xB0B;
	v0 =	vsel vm11, v1, v0;
	v1 =	vimm.s32 $0x8080808  }
0xd: {  	vm13 =	vcmask $0xC0C;
	v0 =	vsel vm12, v1, v0;
	v1 =	vimm.s32 $0xF0F0F0F  }
0xe: {  	vm14 =	vcmask $0xD0D;
	v0 =	vsel vm13, v1, v0;
	v1 =	vimm.s32 $0xE0E0E0E  }
0xf: {  	vm15 =	vcmask $0xE0E;
	v0 =	vsel vm14, v1, v0;
	v1 =	vimm.s32 $0xD0D0D0D  }
0x10: {  	vm4 =	vcmask $0xF0F;
	v0 =	vsel vm15, v1, v0;
	v1 =	vimm.s32 $0xC0C0C0C  }
0x11: {  	vm5 =	vcmask $0x1010;
	v0 =	vsel vm4, v1, v0;
	v1 =	vimm.s32 $0x13131313  }
0x12: {  	vm6 =	vcmask $0x1111;
	v0 =	vsel vm5, v1, v0;
	v1 =	vimm.s32 $0x12121212  }
0x13: {  	vm7 =	vcmask $0x1212;
	v0 =	vsel vm6, v1, v0;
	v1 =	vimm.s32 $0x11111111  }
0x14: {  	vm8 =	vcmask $0x1313;
	v0 =	vsel vm7, v1, v0;
	v1 =	vimm.s32 $0x10101010  }
0x15: {  	vm9 =	vcmask $0x1414;
	v0 =	vsel vm8, v1, v0;
	v1 =	vimm.s32 $0x17171717  }
0x16: {  	vm10 =	vcmask $0x1515;
	v0 =	vsel vm9, v1, v0;
	v1 =	vimm.s32 $0x16161616  }
0x17: {  	vm11 =	vcmask $0x1616;
	v0 =	vsel vm10, v1, v0;
	v1 =	vimm.s32 $0x15151515  }
0x18: {  	vm12 =	vcmask $0x1717;
	v0 =	vsel vm11, v1, v0;
	v1 =	vimm.s32 $0x14141414  }
0x19: {  	vm13 =	vcmask $0x1818;
	v0 =	vsel vm12, v1, v0;
	v1 =	vimm.s32 $0x1B1B1B1B  }
0x1a: {  	vm14 =	vcmask $0x1919;
	v0 =	vsel vm13, v1, v0;
	v1 =	vimm.s32 $0x1A1A1A1A  }
0x1b: {  	vm15 =	vcmask $0x1A1A;
	v0 =	vsel vm14, v1, v0;
	v1 =	vimm.s32 $0x19191919  }
0x1c: {  	vm4 =	vcmask $0x1B1B;
	v0 =	vsel vm15, v1, v0;
	v1 =	vimm.s32 $0x18181818  }
0x1d: {  	vm5 =	vcmask $0x1C1C;
	v0 =	vsel vm4, v1, v0;
	v1 =	vimm.s32 $0x1F1F1F1F  }
0x1e: {  	vm6 =	vcmask $0x1D1D;
	v0 =	vsel vm5, v1, v0;
	v1 =	vimm.s32 $0x1E1E1E1E  }
0x1f: {  	vm7 =	vcmask $0x1E1E;
	v0 =	vsel vm6, v1, v0;
	v1 =	vimm.s32 $0x1D1D1D1D  }
0x20: {  	vm8 =	vcmask $0x1F1F;
	v0 =	vsel vm7, v1, v0;
	v1 =	vimm.s32 $0x1C1C1C1C  }
0x21: {  	vm9 =	vcmask $0x2020;
	v0 =	vsel vm8, v1, v0;
	v1 =	vimm.s32 $0x23232323  }
0x22: {  	vm10 =	vcmask $0x2121;
	v0 =	vsel vm9, v1, v0;
	v1 =	vimm.s32 $0x22222222  }
0x23: {  	vm11 =	vcmask $0x2222;
	v0 =	vsel vm10, v1, v0;
	v1 =	vimm.s32 $0x21212121  }
0x24: {  	vm12 =	vcmask $0x2323;
	v0 =	vsel vm11, v1, v0;
	v1 =	vimm.s32 $0x20202020  }
0x25: {  	vm13 =	vcmask $0x2424;
	v0 =	vsel vm12, v1, v0;
	v1 =	vimm.s32 $0x27272727  }
0x26: {  	vm14 =	vcmask $0x2525;
	v0 =	vsel vm13, v1, v0;
	v1 =	vimm.s32 $0x26262626  }
0x27: {  	vm15 =	vcmask $0x2626;
	v0 =	vsel vm14, v1, v0;
	v1 =	vimm.s32 $0x25252525  }
0x28: {  	vm4 =	vcmask $0x2727;
	v0 =	vsel vm15, v1, v0;
	v1 =	vimm.s32 $0x24242424  }
0x29: {  	vm5 =	vcmask $0x2828;
	v0 =	vsel vm4, v1, v0;
	v1 =	vimm.s32 $0x2B2B2B2B  }
0x2a: {  	vm6 =	vcmask $0x2929;
	v0 =	vsel vm5, v1, v0;
	v1 =	vimm.s32 $0x2A2A2A2A  }
0x2b: {  	vm7 =	vcmask $0x2A2A;
	v0 =	vsel vm6, v1, v0;
	v1 =	vimm.s32 $0x29292929  }
0x2c: {  	vm8 =	vcmask $0x2B2B;
	v0 =	vsel vm7, v1, v0;
	v1 =	vimm.s32 $0x28282828  }
0x2d: {  	s3 =	rddreg [dreg:$0x0];
	vm9 =	vcmask $0x2C2C;
	v0 =	vsel vm8, v1, v0;
	v1 =	vimm.s32 $0x2F2F2F2F  }
0x2e: {  	s4 =	rddreg [dreg:$0x1];
	vm10 =	vcmask $0x2D2D;
	v0 =	vsel vm9, v1, v0;
	v1 =	vimm.s32 $0x2E2E2E2E  }
0x2f: {  	s5 =	rddreg [dreg:$0x2];
	vm11 =	vcmask $0x2E2E;
	v0 =	vsel vm10, v1, v0;
	v1 =	vimm.s32 $0x2D2D2D2D  }
0x30: {  	s6 =	rddreg [dreg:$0x3];
	vm12 =	vcmask $0x2F2F;
	v0 =	vsel vm11, v1, v0;
	v1 =	vimm.s32 $0x2C2C2C2C  }
0x31: {  	s7 =	rddreg [dreg:$0x4];
	vm13 =	vcmask $0x3030;
	v0 =	vsel vm12, v1, v0;
	v1 =	vimm.s32 $0x33333333  }
0x32: {  	s0 =	rddreg [dreg:$0x5];
	vm14 =	vcmask $0x3131;
	v0 =	vsel vm13, v1, v0;
	v1 =	vimm.s32 $0x32323232  }
0x33: {  	s2 =	simm.s32 $0x0;
	s8 =	srdreg.scid;
	s1 =	stileid.u32;
	vm15 =	vcmask $0x3232;
	v0 =	vsel vm14, v1, v0;
	v1 =	vimm.s32 $0x31313131  }
0x34: {  	s15 =	simm.s32 $0x1;
	s16 =	simm.s32 $0x10C00;
	s17 =	simm.s32 $0x4;
	vm4 =	vcmask $0x3333;
	v0 =	vsel vm15, v1, v0;
	v1 =	vimm.s32 $0x30303030  }
0x35: {  	s18 =	simm.s32 $0x10C80;
	s19 =	simm.s32 $0x0;
	[smem:$0x7FF] =	sst s2;
	vm5 =	vcmask $0x3434;
	v0 =	vsel vm4, v1, v0;
	v1 =	vimm.s32 $0x37373737  }
0x36: {  	s8 =	sand.u32 $0x1, s8;
	s9 =	sshrl.u32 s1, $0x3;
	s13 =	sshll.u32 s1, $0x7;
	vm6 =	vcmask $0x3535;
	v0 =	vsel vm5, v1, v0;
	v1 =	vimm.s32 $0x36363636  }
0x37: {  	_ =	strace $0x80000047;
	s10 =	ssub.s32 $0x2, s8;
	s11 =	smul.u32 $0x6000, s9;
	vm7 =	vcmask $0x3636;
	v0 =	vsel vm6, v1, v0;
	v1 =	vimm.s32 $0x35353535  }
0x38: {  	s14 =	smul.u32 $0x3000, s8;
	s29 =	sand.u32 $0x380, s13;
	s30 =	sshll.u32 s9, $0x13;
	vm8 =	vcmask $0x3737;
	v0 =	vsel vm7, v1, v0;
	v1 =	vimm.s32 $0x34343434  }
0x39: {  	s9 =	sshll.u32 s9, $0xA;
	s8 =	sshll.u32 s8, $0x4;
	s12 =	sshrl.u32 s10, $0x1;
	vm9 =	vcmask $0x3838;
	v0 =	vsel vm8, v1, v0;
	v1 =	vimm.s32 $0x3B3B3B3B  }
0x3a: {  	s13 =	sor.u32 s29, s30;
	s8 =	sor.u32 s8, s9;
	s9 =	simm.s32 $0x80;
	vm10 =	vcmask $0x3939;
	v0 =	vsel vm9, v1, v0;
	v1 =	vimm.s32 $0x3A3A3A3A  }
0x3b: {  	s10 =	ssub.s32 s10, s12;
	s11 =	sadd.s32 s14, s11;
	s31 =	sshrl.u32 s13, $0x3;
	vm11 =	vcmask $0x3A3A;
	v0 =	vsel vm10, v1, v0;
	v1 =	vimm.s32 $0x39393939  }
0x3c: {  	s8 =	sor.u32 s29, s8;
	s12 =	simm.s32 $0x10600;
	s13 =	simm.s32 $0x2;
	vm12 =	vcmask $0x3B3B;
	v0 =	vsel vm11, v1, v0;
	v1 =	vimm.s32 $0x38383838  }
0x3d: {  	s14 =	simm.s32 $0x3;
	s11 =	sor.u32 s29, s11;
	s8 =	sshrl.u32 s8, $0x3;
	vm13 =	vcmask $0x3C3C;
	v0 =	vsel vm12, v1, v0;
	v1 =	vimm.s32 $0x3F3F3F3F  }
0x3e: {  	s3 =	sadd.s32 s3, s31;
	s11 =	sshrl.u32 s11, $0x3;
	s6 =	sadd.s32 s6, s8;
	vm14 =	vcmask $0x3D3D;
	v0 =	vsel vm13, v1, v0;
	v1 =	vimm.s32 $0x3E3E3E3E  }
0x3f: {  	s7 =	sadd.s32 s7, s8;
	s8 =	smax.u32 s10, $0x1;
	s10 =	simm.s32 $0x400;
	vm15 =	vcmask $0x3E3E;
	v0 =	vsel vm14, v1, v0;
	v1 =	vimm.s32 $0x3D3D3D3D  }
0x40: {  	s4 =	sadd.s32 s4, s11;
	s5 =	sadd.s32 s5, s11;
	s11 =	simm.s32 $0x10000;
	v0 =	vsel vm15, v1, v0;
	v1 =	vimm.f32 $0.0e+00  }
.LBB2_1:
0x41: {  	[tilespmem:s2], [sflag:$0x1] =	stream.strided.gather [hbm4b:s3+s9], $0x10000, s10, s9, $0x38;
	[tilespmem:$0x10D00] =	vst v63  }
0x42: {  	_ = 	snop  }
0x43: {  	[tilespmem:s11], [sflag:$0x2] =	stream.strided.gather [hbm4b:s4+s9], $0x600, s10, s9, $0x38;
	[tilespmem:$0x10D00] =	vst v63  }
0x44: {  	_ = 	snop  }
0x45: {  	[tilespmem:s12], [sflag:$0x3] =	stream.strided.gather [hbm4b:s5+s9], $0x600, s10, s9, $0x38;
	[tilespmem:$0x10D00] =	vst v63  }
0x46: {  	_ =	swait.ge [sflag:s13], $0x600  }
0x47: {  	[sflag:s13] =	ssyncset.done $0x0  }
0x48: {  	[sflag:s13] =	ssyncadd.s32 $0xFFFFFA00  }
0x49: {  	_ =	swait.ge [sflag:s14], $0x600  }
0x4a: {  	[sflag:s14] =	ssyncset.done $0x0  }
0x4b: {  	[sflag:s14] =	ssyncadd.s32 $0xFFFFFA00  }
0x4c: {  	_ =	swait.ge [sflag:s15], $0x10000  }
0x4d: {  	[sflag:s15] =	ssyncset.done $0x0  }
0x4e: {  	s20 =	simm.s32 $0x0;
	[sflag:s15] =	ssyncadd.s32 $0xFFFF0000  }
0x4f: {  	v2 =	vld [tilespmem:s20+$0x10030];
	_ =	sdelay $0x4  }
0x50: {  	v3 =	vperm.xlane.b8 v2, v0  }
0x51: {  	v5 =	vld [tilespmem:s20+$0x10000];
	v4 =	vshrl.u32 v2, $0x8  }
0x52: {  	v6 =	vld [tilespmem:s20+$0x10010];
	v2 =	vshrl.u32 v2, $0x18;
	v4 =	vand.u32 $0xFF00, v4;
	v3 =	vshrl.u32 v3, $0x10  }
0x53: {  	v2 =	vor.u32 v2, v4;
	_ =	sdelay $0x1  }
0x54: {  	v4 =	vld [tilespmem:s20+$0x10020]  }
0x55: {  	v7 =	vperm.xlane.b8 v5, v0  }
0x56: {  	v8 =	vshrl.u32 v5, $0x8;
	v9 =	vperm.xlane.b8 v6, v0;
	v10 =	vshrl.u32 v6, $0x8;
	v3 =	vld.idx.msk [tilespmem:v3+s2+$0x0], $0xffff  }
0x57: {  	v5 =	vshrl.u32 v5, $0x18;
	v8 =	vand.u32 $0xFF00, v8;
	v7 =	vshrl.u32 v7, $0x10;
	v2 =	vld.idx.msk [tilespmem:v2+s2+$0x0], $0xffff  }
0x58: {  	v6 =	vshrl.u32 v6, $0x18;
	v10 =	vand.u32 $0xFF00, v10;
	v8 =	vor.u32 v5, v8  }
0x59: {  	v10 =	vor.u32 v6, v10;
	v11 =	vperm.xlane.b8 v4, v0  }
0x5a: {  	v5 =	vld [tilespmem:s20+$0x10630];
	v9 =	vshrl.u32 v9, $0x10;
	v12 =	vshrl.u32 v4, $0x8  }
0x5b: {  	v13 =	vld [tilespmem:s20+$0x10600];
	v4 =	vshrl.u32 v4, $0x18;
	v12 =	vand.u32 $0xFF00, v12;
	v11 =	vshrl.u32 v11, $0x10  }
0x5c: {  	v2 =	vsub.f32 v3, v2;
	v3 =	vor.u32 v4, v12;
	v4 =	vld.idx.msk [tilespmem:v7+s2+$0x0], $0xffff  }
0x5d: {  	v7 =	vld.idx.msk [tilespmem:v8+s2+$0x0], $0xffff  }
0x5e: {  	v8 =	vld.idx.msk [tilespmem:v10+s2+$0x0], $0xffff  }
0x5f: {  	v6 =	vmul.f32 v2, v5;
	v2 =	vld.idx.msk [tilespmem:v9+s2+$0x0], $0xffff  }
0x60: {  	v10 =	vld.idx.msk [tilespmem:v11+s2+$0x0], $0xffff  }
0x61: {  	v9 =	vand.u32 $0x7FFFFFFF, v6;
	v3 =	vld.idx.msk [tilespmem:v3+s2+$0x0], $0xffff  }
0x62: {  	v14 =	vld [tilespmem:s20+$0x10610];
	v9 =	vsub.f32 $0.0e+00, v9  }
0x63: {  	v15 =	vld [tilespmem:s20+$0x10620]  }
0x64: {  	v9 =	vmul.f32 $1.442695020e+00, v9  }
0x65: {  	v4 =	vsub.f32 v4, v7  }
0x66: {  	v2 =	vsub.f32 v2, v8;
	(erf) = vpow2.f32 v9;
	v3 =	vsub.f32 v10, v3  }
0x67: {  	v4 =	vmul.f32 v4, v13  }
0x68: {  	v2 =	vmul.f32 v2, v14;
	v3 =	vmul.f32 v3, v15  }
0x69: {  	v7 =	vand.u32 $0x7FFFFFFF, v4  }
0x6a: {  	v7 =	vsub.f32 $0.0e+00, v7;
	v8 =	vand.u32 $0x7FFFFFFF, v2;
	v9 =	vand.u32 $0x7FFFFFFF, v3  }
0x6b: {  	v8 =	vsub.f32 $0.0e+00, v8;
	v9 =	vsub.f32 $0.0e+00, v9  }
0x6c: {  	v7 =	vmul.f32 $1.442695020e+00, v7  }
0x6d: {  	v8 =	vmul.f32 $1.442695020e+00, v8  }
0x6e: {  	s31 =	simm.s32 $0x40;
	(erf) = vpow2.f32 v7;
	v7 =	vmul.f32 $1.442695020e+00, v9  }
0x6f: {  	v16 =	vld [tilespmem:s31+$0x10000];
	(erf) = vpow2.f32 v8;
	v9 =	vpop (erf)  }
0x70: {  	(erf) = vpow2.f32 v7;
	v8 =	vadd.f32 $2.000000000e+00, v9;
	_ =	sdelay $0x1  }
0x71: {  	vm0 =	vlt.f32 v13, $0.0e+00;
	(erf) = vrcp.f32 v8  }
0x72: {  	vm1 =	vgt.f32 v13, $0.0e+00;
	vm2 =	vlt.f32 v14, $0.0e+00;
	vm3 =	vgt.f32 v14, $0.0e+00  }
0x73: {  	vm4 =	vlt.f32 v15, $0.0e+00;
	vm5 =	vgt.f32 v15, $0.0e+00;
	v20 =	vperm.xlane.b8 v16, v0  }
0x74: {  	v23 =	vshrl.u32 v16, $0x8;
	v16 =	vshrl.u32 v16, $0x18;
	vm0 =	vmor vm1, vm0;
	v10 =	vld [tilespmem:s31+$0x10030]  }
0x75: {  	vm1 =	vmor vm3, vm2;
	vm4 =	vmor vm5, vm4;
	v23 =	vand.u32 $0xFF00, v23  }
0x76: {  	v17 =	vsel vm4, $0x3F800000, v1;
	v20 =	vshrl.u32 v20, $0x10;
	v12 =	vmax.f32 v2, $0.0e+00;
	v2 =	vpop (erf)  }
0x77: {  	v16 =	vor.u32 v16, v23;
	v11 =	vmax.f32 v3, $0.0e+00;
	v3 =	vadd.f32 $2.000000000e+00, v2;
	v7 =	vpop (erf)  }
0x78: {  	v13 =	vmax.f32 v4, $0.0e+00;
	v4 =	vsel vm0, $0x3F800000, v1;
	v8 =	vadd.f32 $2.000000000e+00, v7;
	v15 =	vpop (erf)  }
0x79: {  	v19 =	vld [tilespmem:s31+$0x10020];
	v21 =	vshrl.u32 v10, $0x8;
	(erf) = vrcp.f32 v3;
	v3 =	vadd.f32 $2.000000000e+00, v15  }
0x7a: {  	v26 =	vld [tilespmem:s31+$0x10600];
	v14 =	vsel vm1, $0x3F800000, v1;
	v21 =	vand.u32 $0xFF00, v21;
	v18 =	vpop (erf);
	(erf) = vrcp.f32 v8  }
0x7b: {  	v20 =	vld.idx.msk [tilespmem:v20+s2+$0x0], $0xffff;
	v8 =	vadd.f32 v4, v1;
	v9 =	vmul.f32 v18, v9;
	(erf) = vrcp.f32 v3  }
0x7c: {  	v18 =	vld [tilespmem:s31+$0x10010];
	v3 =	vadd.f32 v17, v1;
	v17 =	vperm.xlane.b8 v10, v0;
	v10 =	vshrl.u32 v10, $0x18  }
0x7d: {  	v16 =	vld.idx.msk [tilespmem:v16+s2+$0x0], $0xffff;
	v4 =	vadd.f32 v14, v1;
	v10 =	vor.u32 v10, v21;
	v14 =	vmul.f32 v9, v9  }
0x7e: {  	v25 =	vperm.xlane.b8 v19, v0;
	v27 =	vshrl.u32 v19, $0x8;
	v17 =	vshrl.u32 v17, $0x10  }
0x7f: {  	v19 =	vshrl.u32 v19, $0x18;
	v27 =	vand.u32 $0xFF00, v27;
	v22 =	vmul.f32 $1.111111120e-01, v14  }
0x80: {  	vm5 =	vgt.f32 v26, $0.0e+00;
	vm3 =	vmmov vm0;
	vm2 =	vmmov vm1  }
0x81: {  	v24 =	vperm.xlane.b8 v18, v0;
	v21 =	vadd.f32 $1.428571490e-01, v22;
	v22 =	vshrl.u32 v18, $0x8  }
0x82: {  	v19 =	vor.u32 v19, v27;
	v16 =	vsub.f32 v20, v16;
	v10 =	vld.idx.msk [tilespmem:v10+s2+$0x0], $0xffff;
	v22 =	vand.u32 $0xFF00, v22  }
0x83: {  	v18 =	vshrl.u32 v18, $0x18;
	v17 =	vld.idx.msk [tilespmem:v17+s2+$0x0], $0xffff;
	v23 =	vshrl.u32 v24, $0x10;
	v21 =	vmul.f32 v21, v14  }
0x84: {  	vm6 =	vgt.f32 v5, $0.0e+00;
	v16 =	vmul.f32 v16, v26;
	v28 =	vpop (erf);
	v18 =	vor.u32 v18, v22  }
0x85: {  	v6 =	vmax.f32 v6, $0.0e+00;
	vm0 =	vmmov vm4;
	v21 =	vadd.f32 $2.000000030e-01, v21;
	v22 =	vpop (erf)  }
0x86: {  	v27 =	vmul.f32 v28, v2;
	v2 =	vld [tilespmem:s31+$0x10630];
	v24 =	vshrl.u32 v25, $0x10;
	v25 =	vpop (erf);
	v7 =	vmul.f32 v22, v7  }
0x87: {  	vm1 =	vlt.f32 v5, $0.0e+00;
	v21 =	vmul.f32 v21, v14;
	v15 =	vmul.f32 v25, v15  }
0x88: {  	v10 =	vsub.f32 v17, v10;
	v28 =	vmul.f32 v7, v7;
	v17 =	vadd.f32 v7, v7;
	v7 =	vld.idx.msk [tilespmem:v23+s2+$0x0], $0xffff  }
0x89: {  	vm4 =	vlt.f32 v26, $0.0e+00;
	vm1 =	vmor vm6, vm1;
	v18 =	vld.idx.msk [tilespmem:v18+s2+$0x0], $0xffff;
	v21 =	vadd.f32 $3.333333430e-01, v21  }
0x8a: {  	v19 =	vld.idx.msk [tilespmem:v19+s2+$0x0], $0xffff;
	vm6 =	vmor vm5, vm4;
	v25 =	vmul.f32 v27, v27;
	v29 =	vmul.f32 v15, v15  }
0x8b: {  	v9 =	vadd.f32 v9, v9;
	v22 =	vld [tilespmem:s31+$0x10610];
	v10 =	vmul.f32 v10, v2;
	v14 =	vmul.f32 v21, v14  }
0x8c: {  	v27 =	vadd.f32 v27, v27;
	v24 =	vld.idx.msk [tilespmem:v24+s2+$0x0], $0xffff;
	v15 =	vadd.f32 v15, v15;
	v21 =	vmul.f32 $1.111111120e-01, v25  }
0x8d: {  	v30 =	vmul.f32 $1.111111120e-01, v29;
	v31 =	vand.u32 $0x7FFFFFFF, v10;
	v14 =	vadd.f32 $1.000000000e+00, v14  }
0x8e: {  	v23 =	vmul.f32 $1.111111120e-01, v28;
	v20 =	vsub.f32 $0.0e+00, v31;
	v5 =	vsub.f32 v7, v18  }
0x8f: {  	v21 =	vadd.f32 $1.428571490e-01, v21;
	v9 =	vmul.f32 v14, v9;
	v14 =	vadd.f32 $1.428571490e-01, v30;
	v30 =	vld [tilespmem:s31+$0x10620]  }
0x90: {  	v23 =	vadd.f32 $1.428571490e-01, v23;
	v7 =	vmul.f32 $1.442695020e+00, v20;
	v5 =	vmul.f32 v5, v22  }
0x91: {  	v19 =	vsub.f32 v24, v19;
	v18 =	vmul.f32 v21, v25;
	v6 =	vadd.f32 v9, v6  }
0x92: {  	(erf) = vpow2.f32 v7;
	v7 =	vand.u32 $0x7FFFFFFF, v16;
	v20 =	vand.u32 $0x7FFFFFFF, v5  }
0x93: {  	v18 =	vadd.f32 $2.000000030e-01, v18;
	v14 =	vmul.f32 v14, v29;
	v6 =	vnsel vm1, $0x0, v6  }
0x94: {  	v9 =	vadd.f32 v6, v1;
	v6 =	vsub.f32 $0.0e+00, v7;
	v19 =	vmul.f32 v19, v30  }
0x95: {  	v20 =	vsub.f32 $0.0e+00, v20;
	v18 =	vmul.f32 v18, v25;
	v7 =	vmul.f32 v23, v28  }
0x96: {  	v14 =	vadd.f32 $2.000000030e-01, v14;
	v6 =	vmul.f32 $1.442695020e+00, v6;
	v21 =	vand.u32 $0x7FFFFFFF, v19  }
0x97: {  	v20 =	vmul.f32 $1.442695020e+00, v20;
	v7 =	vadd.f32 $2.000000030e-01, v7;
	v21 =	vsub.f32 $0.0e+00, v21  }
0x98: {  	v18 =	vadd.f32 $3.333333430e-01, v18;
	v14 =	vmul.f32 v14, v29;
	(erf) = vpow2.f32 v6  }
0x99: {  	v6 =	vmax.f32 v16, $0.0e+00;
	v16 =	vmul.f32 $1.442695020e+00, v21;
	v21 =	vmul.f32 v7, v28  }
0x9a: {  	vm7 =	vlt.f32 v22, $0.0e+00;
	v14 =	vadd.f32 $3.333333430e-01, v14;
	(erf) = vpow2.f32 v20  }
0x9b: {  	(erf) = vpow2.f32 v16;
	v16 =	vmul.f32 v18, v25;
	v18 =	vadd.f32 $3.333333430e-01, v21  }
0x9c: {  	vm8 =	vgt.f32 v22, $0.0e+00;
	v7 =	vmax.f32 v5, $0.0e+00;
	v20 =	vpop (erf);
	v14 =	vmul.f32 v14, v29  }
0x9d: {  	v5 =	vmax.f32 v19, $0.0e+00;
	v19 =	vadd.f32 $2.000000000e+00, v20;
	v18 =	vmul.f32 v18, v28  }
0x9e: {  	vm4 =	vmor vm8, vm7;
	v14 =	vadd.f32 $1.000000000e+00, v14;
	v16 =	vadd.f32 $1.000000000e+00, v16  }
0x9f: {  	vm9 =	vlt.f32 v30, $0.0e+00;
	(erf) = vrcp.f32 v19;
	v18 =	vadd.f32 $1.000000000e+00, v18  }
0xa0: {  	vm10 =	vgt.f32 v30, $0.0e+00;
	v14 =	vmul.f32 v14, v15;
	v19 =	vmul.f32 v16, v27  }
0xa1: {  	v22 =	vsel vm6, $0x3F800000, v1;
	vm5 =	vmor vm10, vm9;
	v18 =	vmul.f32 v18, v17  }
0xa2: {  	v25 =	vadd.f32 v14, v11;
	v14 =	vimm.f32 $0.0e+00;
	v16 =	vpop (erf);
	v13 =	vadd.f32 v19, v13  }
0xa3: {  	v11 =	vimm.f32 $0.0e+00;
	v19 =	vsel vm4, $0x3F800000, v1;
	v21 =	vadd.f32 $2.000000000e+00, v16;
	v17 =	vpop (erf)  }
0xa4: {  	v23 =	vnsel vm3, $0x0, v13;
	v12 =	vadd.f32 v18, v12;
	v27 =	vadd.f32 $2.000000000e+00, v17  }
0xa5: {  	s21 =	simm.s32 $0x80;
	v13 =	vimm.f32 $0.0e+00;
	(erf) = vrcp.f32 v21;
	v21 =	vsel vm5, $0x3F800000, v1;
	v18 =	vpop (erf)  }
0xa6: {  	s20 =	simm.s32 $0x300;
	v28 =	vld [tilespmem:s21+$0x10030];
	v24 =	vnsel vm2, $0x0, v12;
	v12 =	vimm.f32 $0.0e+00;
	v26 =	vadd.f32 $2.000000000e+00, v18  }
.LBB2_2:
0xa7: {  	(erf) = vrcp.f32 v27;
	v15 =	vnsel vm0, $0x0, v25;
	v25 =	vsel vm1, $0x3F800000, v1  }
0xa8: {  	p0 =	sne.s32 s20, $0x1700;
	v29 =	vld [tilespmem:s21+$0x10000];
	vm3 =	vmmov vm6;
	vm2 =	vmmov vm4;
	vm0 =	vmmov vm5  }
0xa9: {  	v13 =	vadd.f32 v23, v13;
	v14 =	vadd.f32 v24, v14;
	v27 =	vld [tilespmem:s21+$0x10010];
	(erf) = vrcp.f32 v26;
	v26 =	vpop (erf)  }
0xaa: {  	v8 =	vadd.f32 v22, v8;
	v12 =	vadd.f32 v15, v12;
	v23 =	vld [tilespmem:s21+$0x10020];
	v20 =	vmul.f32 v26, v20  }
0xab: {  	v4 =	vadd.f32 v19, v4;
	v3 =	vadd.f32 v21, v3;
	v22 =	vld [tilespmem:s21+$0x10600]  }
0xac: {  	v11 =	vadd.f32 v25, v11;
	v19 =	vld [tilespmem:s21+$0x10610];
	v21 =	vperm.xlane.b8 v28, v0;
	v24 =	vmul.f32 v20, v20  }
0xad: {  	v26 =	vshrl.u32 v28, $0x8;
	v33 =	vshrl.u32 v28, $0x18;
	v25 =	vperm.xlane.b8 v29, v0;
	v15 =	vld [tilespmem:s21+$0x10620]  }
0xae: {  	v26 =	vand.u32 $0xFF00, v26;
	v21 =	vshrl.u32 v21, $0x10;
	v30 =	vmul.f32 $1.111111120e-01, v24  }
0xaf: {  	v31 =	vshrl.u32 v29, $0x8;
	v32 =	vperm.xlane.b8 v27, v0;
	v26 =	vor.u32 v33, v26;
	v28 =	vpop (erf)  }
0xb0: {  	v33 =	vshrl.u32 v27, $0x8;
	v34 =	vperm.xlane.b8 v23, v0;
	v30 =	vadd.f32 $1.428571490e-01, v30  }
0xb1: {  	v31 =	vand.u32 $0xFF00, v31;
	v33 =	vand.u32 $0xFF00, v33;
	v35 =	vshrl.u32 v23, $0x8;
	v36 =	vpop (erf)  }
0xb2: {  	v29 =	vshrl.u32 v29, $0x18;
	v35 =	vand.u32 $0xFF00, v35;
	v30 =	vmul.f32 v30, v24;
	v37 =	vpop (erf)  }
0xb3: {  	v27 =	vshrl.u32 v27, $0x18;
	v25 =	vshrl.u32 v25, $0x10;
	v23 =	vshrl.u32 v23, $0x18;
	v21 =	vld.idx.msk [tilespmem:v21+s2+$0x0], $0xffff  }
0xb4: {  	v29 =	vor.u32 v29, v31;
	v31 =	vshrl.u32 v32, $0x10;
	v26 =	vld.idx.msk [tilespmem:v26+s2+$0x0], $0xffff;
	v30 =	vadd.f32 $2.000000030e-01, v30  }
0xb5: {  	v27 =	vor.u32 v27, v33;
	v32 =	vshrl.u32 v34, $0x10;
	v23 =	vor.u32 v23, v35  }
0xb6: {  	vm4 =	vlt.f32 v22, $0.0e+00;
	v16 =	vmul.f32 v28, v16;
	v28 =	vmul.f32 v30, v24  }
0xb7: {  	vm5 =	vgt.f32 v22, $0.0e+00;
	v17 =	vmul.f32 v36, v17;
	v18 =	vmul.f32 v37, v18;
	v30 =	vld [tilespmem:s21+$0x10630]  }
0xb8: {  	v33 =	vmul.f32 v16, v16;
	v16 =	vadd.f32 v16, v16;
	v25 =	vld.idx.msk [tilespmem:v25+s2+$0x0], $0xffff;
	v28 =	vadd.f32 $3.333333430e-01, v28  }
0xb9: {  	v34 =	vmul.f32 v17, v17;
	v17 =	vadd.f32 v17, v17;
	v35 =	vmul.f32 v18, v18;
	v29 =	vld.idx.msk [tilespmem:v29+s2+$0x0], $0xffff  }
0xba: {  	v21 =	vsub.f32 v21, v26;
	v26 =	vmul.f32 $1.111111120e-01, v33;
	v31 =	vld.idx.msk [tilespmem:v31+s2+$0x0], $0xffff;
	v24 =	vmul.f32 v28, v24  }
0xbb: {  	v18 =	vadd.f32 v18, v18;
	v36 =	vmul.f32 $1.111111120e-01, v35;
	v28 =	vmul.f32 $1.111111120e-01, v34;
	v27 =	vld.idx.msk [tilespmem:v27+s2+$0x0], $0xffff  }
0xbc: {  	v20 =	vadd.f32 v20, v20;
	v32 =	vld.idx.msk [tilespmem:v32+s2+$0x0], $0xffff;
	v21 =	vmul.f32 v21, v30;
	v24 =	vadd.f32 $1.000000000e+00, v24  }
0xbd: {  	vm7 =	vlt.f32 v19, $0.0e+00;
	v26 =	vadd.f32 $1.428571490e-01, v26;
	v28 =	vadd.f32 $1.428571490e-01, v28;
	v23 =	vld.idx.msk [tilespmem:v23+s2+$0x0], $0xffff  }
0xbe: {  	v36 =	vadd.f32 $1.428571490e-01, v36;
	v37 =	vand.u32 $0x7FFFFFFF, v21;
	v20 =	vmul.f32 v24, v20  }
0xbf: {  	v24 =	vsub.f32 v25, v29;
	v29 =	vmax.f32 v10, $0.0e+00;
	v10 =	vmovc v21;
	v25 =	vsub.f32 $0.0e+00, v37  }
0xc0: {  	vm1 =	vlt.f32 v2, $0.0e+00;
	vm6 =	vgt.f32 v2, $0.0e+00;
	v2 =	vmovc v30;
	v20 =	vadd.f32 v20, v29  }
0xc1: {  	vm1 =	vmor vm6, vm1;
	v21 =	vsub.f32 v31, v27;
	v25 =	vmul.f32 $1.442695020e+00, v25  }
0xc2: {  	v22 =	vmul.f32 v24, v22;
	v24 =	vmul.f32 v26, v33;
	v20 =	vnsel vm1, $0x0, v20  }
0xc3: {  	v23 =	vsub.f32 v32, v23;
	(erf) = vpow2.f32 v25;
	v9 =	vadd.f32 v20, v9  }
0xc4: {  	v21 =	vmul.f32 v21, v19;
	v20 =	vand.u32 $0x7FFFFFFF, v22;
	v25 =	vmul.f32 v28, v34  }
0xc5: {  	v26 =	vmul.f32 v36, v35;
	v20 =	vsub.f32 $0.0e+00, v20;
	v23 =	vmul.f32 v23, v15  }
0xc6: {  	v24 =	vadd.f32 $2.000000030e-01, v24;
	v27 =	vand.u32 $0x7FFFFFFF, v21;
	v25 =	vadd.f32 $2.000000030e-01, v25  }
0xc7: {  	v27 =	vsub.f32 $0.0e+00, v27;
	v20 =	vmul.f32 $1.442695020e+00, v20;
	v28 =	vand.u32 $0x7FFFFFFF, v23  }
0xc8: {  	v26 =	vadd.f32 $2.000000030e-01, v26;
	v24 =	vmul.f32 v24, v33;
	v28 =	vsub.f32 $0.0e+00, v28  }
0xc9: {  	v29 =	vmax.f32 v22, $0.0e+00;
	v22 =	vmul.f32 $1.442695020e+00, v27;
	(erf) = vpow2.f32 v20  }
0xca: {  	v24 =	vadd.f32 $3.333333430e-01, v24;
	v25 =	vmul.f32 v25, v34;
	v27 =	vmul.f32 $1.442695020e+00, v28  }
0xcb: {  	v30 =	vmax.f32 v21, $0.0e+00;
	v21 =	vmul.f32 v26, v35;
	(erf) = vpow2.f32 v22  }
0xcc: {  	v22 =	vmul.f32 v24, v33;
	v24 =	vadd.f32 $3.333333430e-01, v25;
	(erf) = vpow2.f32 v27;
	v20 =	vpop (erf)  }
0xcd: {  	v31 =	vmax.f32 v23, $0.0e+00;
	v21 =	vadd.f32 $3.333333430e-01, v21;
	v23 =	vadd.f32 $2.000000000e+00, v20  }
0xce: {  	vm8 =	vgt.f32 v19, $0.0e+00;
	v19 =	vadd.f32 $1.000000000e+00, v22;
	v22 =	vmul.f32 v24, v34  }
0xcf: {  	vm9 =	vlt.f32 v15, $0.0e+00;
	v21 =	vmul.f32 v21, v35;
	(erf) = vrcp.f32 v23  }
0xd0: {  	vm10 =	vgt.f32 v15, $0.0e+00;
	v15 =	vmul.f32 v19, v16;
	v19 =	vadd.f32 $1.000000000e+00, v22  }
0xd1: {  	vm6 =	vmor vm5, vm4;
	vm4 =	vmor vm8, vm7;
	v21 =	vadd.f32 $1.000000000e+00, v21  }
.Ltmp0:
0xd2: {  	vm5 =	vmor vm10, vm9;
	v15 =	vadd.f32 v15, v6;
	v24 =	vmul.f32 v19, v17;
	v16 =	vpop (erf);
	(pc) =	sbr.rel @p0 .LBB2_2-.Ltmp0, $4  }
0xd3: {  	v21 =	vmul.f32 v21, v18;
	v22 =	vsel vm6, $0x3F800000, v1;
	v6 =	vmovc v29;
	v25 =	vadd.f32 $2.000000000e+00, v16  }
0xd4: {  	v19 =	vsel vm4, $0x3F800000, v1;
	v23 =	vnsel vm3, $0x0, v15;
	v15 =	vadd.f32 v24, v7;
	v17 =	vpop (erf)  }
0xd5: {  	s21 =	sshra.s32 s20, $0x2;
	v27 =	vadd.f32 $2.000000000e+00, v17;
	(erf) = vrcp.f32 v25;
	v18 =	vpop (erf);
	v25 =	vadd.f32 v21, v5  }
0xd6: {  	s20 =	sadd.s32 $0x100, s20;
	v7 =	vmovc v30;
	v21 =	vsel vm5, $0x3F800000, v1;
	v24 =	vnsel vm2, $0x0, v15;
	v5 =	vmovc v31;
	v28 =	vld [tilespmem:s21+$0x10030];
	v26 =	vadd.f32 $2.000000000e+00, v18  }
0xd7: {  	_ = 	snop  }
0xd8: {  	v15 =	vld [tilespmem:s21+$0x10000]  }
0xd9: {  	v29 =	vld [tilespmem:s21+$0x10010];
	_ =	sdelay $0x1  }
0xda: {  	v31 =	vld [tilespmem:s21+$0x10020];
	v30 =	vperm.xlane.b8 v28, v0  }
0xdb: {  	v32 =	vshrl.u32 v28, $0x8;
	v41 =	vshrl.u32 v28, $0x18  }
0xdc: {  	v32 =	vand.u32 $0xFF00, v32;
	v33 =	vperm.xlane.b8 v15, v0;
	v30 =	vshrl.u32 v30, $0x10  }
0xdd: {  	v42 =	vshrl.u32 v15, $0x8;
	v34 =	vperm.xlane.b8 v29, v0;
	v28 =	vor.u32 v41, v32  }
0xde: {  	v15 =	vshrl.u32 v15, $0x18;
	v32 =	vand.u32 $0xFF00, v42;
	v33 =	vshrl.u32 v33, $0x10  }
0xdf: {  	v35 =	vld [tilespmem:s21+$0x10600];
	v36 =	vshrl.u32 v29, $0x8;
	v37 =	vperm.xlane.b8 v31, v0;
	v32 =	vor.u32 v15, v32  }
0xe0: {  	v29 =	vshrl.u32 v29, $0x18;
	v36 =	vand.u32 $0xFF00, v36;
	v34 =	vshrl.u32 v34, $0x10;
	v15 =	vld [tilespmem:s21+$0x10630]  }
0xe1: {  	v44 =	vshrl.u32 v31, $0x8;
	v45 =	vor.u32 v29, v36;
	v30 =	vld.idx.msk [tilespmem:v30+s2+$0x0], $0xffff  }
0xe2: {  	v31 =	vshrl.u32 v31, $0x18;
	v46 =	vand.u32 $0xFF00, v44;
	v47 =	vshrl.u32 v37, $0x10;
	v28 =	vld.idx.msk [tilespmem:v28+s2+$0x0], $0xffff  }
0xe3: {  	v29 =	vor.u32 v31, v46;
	v33 =	vld.idx.msk [tilespmem:v33+s2+$0x0], $0xffff  }
0xe4: {  	v49 =	vld.idx.msk [tilespmem:v32+s2+$0x0], $0xffff  }
0xe5: {  	(erf) = vrcp.f32 v27;
	v25 =	vnsel vm0, $0x0, v25;
	v52 =	vsel vm1, $0x3F800000, v1;
	v34 =	vld.idx.msk [tilespmem:v34+s2+$0x0], $0xffff  }
0xe6: {  	vm2 =	vmmov vm6;
	v14 =	vadd.f32 v24, v14;
	vm1 =	vmmov vm4;
	v51 =	vld.idx.msk [tilespmem:v45+s2+$0x0], $0xffff  }
0xe7: {  	vm0 =	vmmov vm5;
	v10 =	vmax.f32 v10, $0.0e+00;
	vm3 =	vlt.f32 v2, $0.0e+00;
	v43 =	vpop (erf);
	v36 =	vld.idx.msk [tilespmem:v47+s2+$0x0], $0xffff  }
0xe8: {  	v25 =	vadd.f32 v25, v12;
	v12 =	vadd.f32 v19, v4;
	v38 =	vmul.f32 v43, v20;
	v29 =	vld.idx.msk [tilespmem:v29+s2+$0x0], $0xffff  }
0xe9: {  	vm14 =	vgt.f32 v2, $0.0e+00;
	v4 =	vadd.f32 v21, v3;
	v20 =	vadd.f32 v23, v13;
	v23 =	vld [tilespmem:s21+$0x10610]  }
0xea: {  	v13 =	vadd.f32 v22, v8;
	v22 =	vld [tilespmem:s21+$0x10620];
	v48 =	vmul.f32 v38, v38;
	v54 =	vsub.f32 v30, v28  }
0xeb: {  	(erf) = vrcp.f32 v26;
	v3 =	vadd.f32 v52, v11;
	v27 =	vsub.f32 v33, v49  }
0xec: {  	v50 =	vmul.f32 $1.111111120e-01, v48;
	v55 =	vpop (erf);
	v26 =	vsub.f32 v34, v51;
	v8 =	vmul.f32 v54, v15  }
0xed: {  	v16 =	vmul.f32 v55, v16;
	v29 =	vsub.f32 v36, v29;
	v27 =	vmul.f32 v27, v35  }
0xee: {  	v32 =	vadd.f32 $1.428571490e-01, v50;
	v26 =	vmul.f32 v26, v23;
	v57 =	vand.u32 $0x7FFFFFFF, v8  }
0xef: {  	v29 =	vmul.f32 v29, v22;
	v28 =	vsub.f32 $0.0e+00, v57;
	v59 =	vand.u32 $0x7FFFFFFF, v27  }
0xf0: {  	v53 =	vmul.f32 v32, v48;
	v61 =	vand.u32 $0x7FFFFFFF, v26;
	v60 =	vsub.f32 $0.0e+00, v59  }
0xf1: {  	v62 =	vand.u32 $0x7FFFFFFF, v29;
	v32 =	vsub.f32 $0.0e+00, v61;
	v28 =	vmul.f32 $1.442695020e+00, v28  }
0xf2: {  	v63 =	vmul.f32 v16, v16;
	v33 =	vsub.f32 $0.0e+00, v62;
	v30 =	vmul.f32 $1.442695020e+00, v60  }
0xf3: {  	v24 =	vadd.f32 $2.000000030e-01, v53;
	v36 =	vmul.f32 $1.442695020e+00, v32;
	(erf) = vpow2.f32 v28  }
0xf4: {  	vm3 =	vmor vm14, vm3;
	v56 =	vpop (erf);
	v39 =	vmul.f32 $1.442695020e+00, v33;
	(erf) = vpow2.f32 v30  }
0xf5: {  	vm12 =	vlt.f32 v35, $0.0e+00;
	v58 =	vpop (erf);
	v24 =	vmul.f32 v24, v48;
	(erf) = vpow2.f32 v36  }
0xf6: {  	vm13 =	vgt.f32 v35, $0.0e+00;
	v18 =	vmul.f32 v58, v18;
	(erf) = vpow2.f32 v39  }
0xf7: {  	vm15 =	vmor vm13, vm12;
	v17 =	vmul.f32 v56, v17;
	v24 =	vadd.f32 $3.333333430e-01, v24  }
0xf8: {  	vm7 =	vlt.f32 v23, $0.0e+00;
	v43 =	vmul.f32 $1.111111120e-01, v63;
	v42 =	vmul.f32 v18, v18  }
0xf9: {  	vm8 =	vgt.f32 v23, $0.0e+00;
	v40 =	vmul.f32 v17, v17;
	v41 =	vmul.f32 v24, v48  }
0xfa: {  	vm9 =	vlt.f32 v22, $0.0e+00;
	v46 =	vmul.f32 $1.111111120e-01, v42;
	v24 =	vadd.f32 $1.428571490e-01, v43  }
0xfb: {  	v45 =	vadd.f32 v38, v38;
	v44 =	vmul.f32 $1.111111120e-01, v40;
	v21 =	vadd.f32 $1.000000000e+00, v41  }
0xfc: {  	vm10 =	vgt.f32 v22, $0.0e+00;
	v47 =	vadd.f32 $1.428571490e-01, v46;
	v24 =	vmul.f32 v24, v63;
	v49 =	vpop (erf)  }
0xfd: {  	v28 =	vadd.f32 $1.428571490e-01, v44;
	v21 =	vmul.f32 v21, v45;
	v50 =	vadd.f32 $2.000000000e+00, v49;
	v51 =	vpop (erf)  }
0xfe: {  	v24 =	vadd.f32 $2.000000030e-01, v24;
	v30 =	vmul.f32 v47, v42;
	v52 =	vadd.f32 $2.000000000e+00, v51;
	v53 =	vpop (erf)  }
0xff: {  	v48 =	vmul.f32 v28, v40;
	(erf) = vrcp.f32 v50;
	v54 =	vadd.f32 $2.000000000e+00, v53;
	v55 =	vpop (erf)  }
0x100: {  	v30 =	vadd.f32 $2.000000030e-01, v30;
	(erf) = vrcp.f32 v52;
	v56 =	vadd.f32 $2.000000000e+00, v55  }
0x101: {  	v10 =	vadd.f32 v21, v10;
	v24 =	vmul.f32 v24, v63;
	(erf) = vrcp.f32 v54  }
0x102: {  	v21 =	vadd.f32 $2.000000030e-01, v48;
	v2 =	vmul.f32 v30, v42;
	(erf) = vrcp.f32 v56  }
0x103: {  	vm8 =	vmor vm8, vm7;
	vm9 =	vmor vm10, vm9;
	vm10 =	vmmov vm15  }
0x104: {  	v24 =	vadd.f32 $3.333333430e-01, v24;
	v21 =	vmul.f32 v21, v40;
	v2 =	vadd.f32 $3.333333430e-01, v2  }
0x105: {  	vm11 =	vmmov vm8;
	v16 =	vadd.f32 v16, v16;
	v10 =	vnsel vm3, $0x0, v10  }
0x106: {  	v57 =	vmul.f32 v24, v63;
	v21 =	vadd.f32 $3.333333430e-01, v21;
	v2 =	vmul.f32 v2, v42  }
0x107: {  	vm12 =	vmmov vm9;
	v18 =	vadd.f32 v18, v18;
	v9 =	vadd.f32 v10, v9  }
0x108: {  	v10 =	vadd.f32 $1.000000000e+00, v57;
	v19 =	vmul.f32 v21, v40;
	v2 =	vadd.f32 $1.000000000e+00, v2;
	v59 =	vpop (erf)  }
0x109: {  	v17 =	vadd.f32 v17, v17;
	vm13 =	vlt.f32 v15, $0.0e+00;
	vm14 =	vgt.f32 v15, $0.0e+00;
	v60 =	vpop (erf)  }
0x10a: {  	v10 =	vmul.f32 v10, v16;
	v19 =	vadd.f32 $1.000000000e+00, v19;
	v2 =	vmul.f32 v2, v18;
	v61 =	vpop (erf)  }
0x10b: {  	v8 =	vmax.f32 v8, $0.0e+00;
	v16 =	vmul.f32 v60, v51;
	v62 =	vpop (erf);
	v18 =	vmul.f32 v61, v53  }
0x10c: {  	v58 =	vmax.f32 v26, $0.0e+00;
	v17 =	vmul.f32 v19, v17;
	v19 =	vmul.f32 v62, v55  }
0x10d: {  	v47 =	vsel vm9, $0x3F800000, v1;
	v37 =	vmul.f32 v16, v16;
	v38 =	vmul.f32 v18, v18  }
0x10e: {  	v4 =	vadd.f32 v47, v4;
	v63 =	vmul.f32 v59, v49;
	v41 =	vmul.f32 v19, v19  }
0x10f: {  	v39 =	vsel vm15, $0x3F800000, v1;
	v43 =	vmul.f32 $1.111111120e-01, v37;
	v44 =	vmul.f32 $1.111111120e-01, v38  }
0x110: {  	v13 =	vadd.f32 v39, v13;
	v24 =	vmax.f32 v27, $0.0e+00;
	v40 =	vmul.f32 v63, v63  }
0x111: {  	v46 =	vmul.f32 $1.111111120e-01, v41;
	v30 =	vadd.f32 $1.428571490e-01, v43;
	v31 =	vadd.f32 $1.428571490e-01, v44  }
0x112: {  	v42 =	vsel vm8, $0x3F800000, v1;
	v6 =	vadd.f32 v10, v6;
	v45 =	vmul.f32 $1.111111120e-01, v40  }
0x113: {  	v32 =	vadd.f32 $1.428571490e-01, v46;
	v30 =	vmul.f32 v30, v37;
	v31 =	vmul.f32 v31, v38  }
0x114: {  	v6 =	vnsel vm2, $0x0, v6;
	v7 =	vadd.f32 v17, v7;
	v17 =	vadd.f32 $1.428571490e-01, v45  }
0x115: {  	v48 =	vmul.f32 v32, v41;
	v30 =	vadd.f32 $2.000000030e-01, v30;
	v31 =	vadd.f32 $2.000000030e-01, v31  }
0x116: {  	v12 =	vadd.f32 v42, v12;
	v6 =	vadd.f32 v6, v20;
	v17 =	vmul.f32 v17, v40  }
0x117: {  	v50 =	vmul.f32 v30, v37;
	v20 =	vadd.f32 $2.000000030e-01, v48;
	v51 =	vmul.f32 v31, v38  }
0x118: {  	v2 =	vadd.f32 v2, v5;
	v7 =	vnsel vm1, $0x0, v7;
	v49 =	vadd.f32 $2.000000030e-01, v17  }
0x119: {  	v17 =	vadd.f32 $3.333333430e-01, v50;
	v20 =	vmul.f32 v20, v41;
	v52 =	vadd.f32 $3.333333430e-01, v51  }
0x11a: {  	v7 =	vadd.f32 v7, v14;
	v16 =	vadd.f32 v16, v16;
	v14 =	vmul.f32 v49, v40  }
0x11b: {  	v10 =	vmul.f32 v17, v37;
	v54 =	vadd.f32 $3.333333430e-01, v20;
	v55 =	vmul.f32 v52, v38  }
0x11c: {  	v21 =	vmax.f32 v29, $0.0e+00;
	v18 =	vadd.f32 v18, v18;
	v14 =	vadd.f32 $3.333333430e-01, v14  }
0x11d: {  	v10 =	vadd.f32 $1.000000000e+00, v10;
	v17 =	vmul.f32 v54, v41;
	v20 =	vadd.f32 $1.000000000e+00, v55  }
0x11e: {  	v2 =	vnsel vm0, $0x0, v2;
	v19 =	vadd.f32 v19, v19;
	v14 =	vmul.f32 v14, v40  }
0x11f: {  	v10 =	vmul.f32 v10, v16;
	v56 =	vadd.f32 $1.000000000e+00, v17;
	v57 =	vmul.f32 v20, v18  }
0x120: {  	v53 =	vsel vm3, $0x3F800000, v1;
	v22 =	vadd.f32 v63, v63;
	v14 =	vadd.f32 $1.000000000e+00, v14  }
0x121: {  	v10 =	vadd.f32 v10, v24;
	v16 =	vmul.f32 v56, v19;
	v11 =	vadd.f32 v57, v58  }
0x122: {  	v2 =	vadd.f32 v2, v25;
	v3 =	vadd.f32 v53, v3;
	v14 =	vmul.f32 v14, v22  }
0x123: {  	v59 =	vnsel vm10, $0x0, v10;
	v60 =	vadd.f32 v16, v21;
	v11 =	vnsel vm11, $0x0, v11  }
0x124: {  	vm15 =	vmor vm14, vm13;
	v6 =	vadd.f32 v59, v6;
	v7 =	vadd.f32 v11, v7  }
0x125: {  	v62 =	vadd.f32 v12, v13;
	v58 =	vadd.f32 v14, v8;
	v61 =	vnsel vm12, $0x0, v60  }
0x126: {  	v63 =	vsel vm15, $0x3F800000, v1;
	v2 =	vadd.f32 v61, v2;
	v6 =	vadd.f32 v7, v6  }
0x127: {  	v3 =	vadd.f32 v63, v3;
	v4 =	vadd.f32 v4, v62;
	v5 =	vnsel vm15, $0x0, v58  }
0x128: {  	v5 =	vadd.f32 v5, v9;
	v2 =	vadd.f32 v2, v6  }
0x129: {  	v3 =	vadd.f32 v3, v4  }
0x12a: {  	v2 =	vadd.f32 v5, v2  }
0x12b: {  	[tilespmem:$0x10C80] =	vst v3  }
0x12c: {  	[tilespmem:$0x10C00] =	vst v2  }
0x12d: {  	[hbm4b:s6+s2] =	stream.linear.scatter [tilespmem:s16], [sflag:$0x4], $0x10, $0x38;
	[tilespmem:$0x10D00] =	vst v63  }
0x12e: {  	s19 =	sadd.s32 $0x1, s19;
	_ =	swait.ge [sflag:s17], $0x10  }
0x12f: {  	p0 =	sne.s32 s19, s8;
	[sflag:s17] =	ssyncset.done $0x0  }
.Ltmp1:
0x130: {  	[sflag:s17] =	ssyncadd.s32 $0xFFFFFFF0;
	(pc) =	sbr.rel @p0 .LBB2_1-.Ltmp1, $4  }
0x131: {  	[hbm4b:s7+s2] =	stream.linear.scatter [tilespmem:s18], [sflag:$0x4], $0x10, $0x38;
	[tilespmem:$0x10D00] =	vst v63  }
0x132: {  	_ =	swait.ge [sflag:s17], $0x10  }
0x133: {  	[sflag:s17] =	ssyncset.done $0x0  }
0x134: {  	[sflag:s17] =	ssyncadd.s32 $0xFFFFFFF0  }
0x135: {  	_ =	sfence.sel $0x180000  }
0x136: {  	[bflag:$0x0] =	sbarrier.arrive $0xFFFF  }
0x137: {  	p0 =	sne.s32 s1, $0x0;
	_ =	strace $0x90000047  }
0x138: {  	s0 =	sadd.s32 @!p0 $0x100000, s0;
	[bflag:$0x2] =	sbarrier.arrive $0xFFFF  }
0x139: {  	[sflag:s0] =	ssyncadd.tile.s32 @!p0 $0x1;
	_ =	shalt  }
.Lfunc_end2:
_tile_overlayer_lowered:
.L_overlay_start_2:
0x13a: {  	(tag) =	ssettag $0x2  }
0x13b: {  	s0 =	rddreg [dreg:$0x0];
	s2 =	stileid.u32  }
0x13c: {  	s1 =	rddreg [dreg:$0x1];
	p0 =	sne.s32 s2, $0x0  }
0x13d: {  	s3 =	rddreg [dreg:$0x2];
	[bflag:$0x3] =	sbarrier.arrive $0xFFFF;
	s2 =	simm.s32 @!p0 $0x1C04  }
0x13e: {  	[timem:s3], [sflag:s2] =	dma.local @!p0 [hbm:s0], s1  }
0x13f: {  	s0 =	simm.s32 @!p0 $0x4  }
0x140: {  	_ =	swait.ge @!p0 [sflag:s0], s1  }
0x141: {  	s1 =	ssub.s32 @!p0 $0x0, s1;
	[sflag:s0] =	ssyncset.done @!p0 $0x0  }
0x142: {  	[sflag:s0] =	ssyncadd.s32 @!p0 s1  }
0x143: {  	[bflag:$0x3] =	sbarrier.arrive $0xFFFF  }
0x144: {  	_ =	shalt  }

</sc_bundles>
